<compile_context>
chip_gen: v7x
topology: tpu7x:2x2x1
jax: 0.10.2.dev20260603
libtpu: 0.0.44.dev20260713+nightly
codegen_flags: <defaults>
</compile_context>

<pallas_src>
import functools

import jax
import jax.numpy as jnp
from jax import lax
from jax.experimental import pallas as pl
from jax.experimental.pallas import tpu as pltpu
from jax.experimental.pallas import tpu_sc as plsc

B, S, D = 1, 2048, 768
H, KVH, HD = 12, 4, 64
E, K = 8, 2
F = 2688
EPS = 1e-06

TB = 256
NBLK = S * K // TB + E
CAP = NBLK * TB
BQ = 256
REP = H // KVH

NC, NS = 2, 16
NW = NC * NS
A_PER = S * K // NW
T_PER = S // NW


def _rms(x, w):
    return x * lax.rsqrt(jnp.mean(x * x, axis=-1, keepdims=True) + EPS) * w


def _qkv_body(x_ref, ln1_ref, wq_ref, wqr_ref, wk_ref, wkr_ref, wv_ref,
              cq_ref, sq_ref, ck_ref, sk_ref, q_ref, k_ref, v_ref):
    h = _rms(x_ref[...], ln1_ref[...]).astype(jnp.bfloat16)
    q = jnp.dot(h, wq_ref[...].astype(jnp.bfloat16),
                preferred_element_type=jnp.float32)
    qr = jnp.dot(h, wqr_ref[...].astype(jnp.bfloat16),
                 preferred_element_type=jnp.float32)
    k = jnp.dot(h, wk_ref[...].astype(jnp.bfloat16),
                preferred_element_type=jnp.float32)
    kr = jnp.dot(h, wkr_ref[...].astype(jnp.bfloat16),
                 preferred_element_type=jnp.float32)
    v = jnp.dot(h, wv_ref[...].astype(jnp.bfloat16),
                preferred_element_type=jnp.float32)
    q = (q * cq_ref[...] + qr * sq_ref[...]).astype(jnp.bfloat16)
    k = (k * ck_ref[...] + kr * sk_ref[...]).astype(jnp.bfloat16)
    v = v.astype(jnp.bfloat16)
    for hh in range(H):
        q_ref[hh] = q[:, hh * HD:(hh + 1) * HD]
    for hh in range(KVH):
        k_ref[hh] = k[:, hh * HD:(hh + 1) * HD]
        v_ref[hh] = v[:, hh * HD:(hh + 1) * HD]


BA = 256


def _attn_body(q_ref, k_ref, v_ref, o_ref):
    qi = pl.program_id(1)
    s = lax.dot_general(q_ref[0], k_ref[0], (((1,), (1,)), ((), ())),
                        preferred_element_type=jnp.float32)
    row = lax.broadcasted_iota(jnp.int32, (BA, S), 0) + qi * BA
    col = lax.broadcasted_iota(jnp.int32, (BA, S), 1)
    s = jnp.where(col <= row, s, jnp.float32(-1e9))
    m = jnp.max(s, axis=-1, keepdims=True)
    p32 = jnp.exp(s - m)
    l = jnp.sum(p32, axis=-1, keepdims=True)
    o = lax.dot_general(p32.astype(jnp.bfloat16), v_ref[0],
                        (((1,), (0,)), ((), ())),
                        preferred_element_type=jnp.float32)
    o_ref[0] = o / l


def _router_body(x_ref, o_ref, wo_ref, ln2_ref, rw_ref, x2_ref, h2_ref,
                 slots_ref, wts_ref, be_ref):
    o2 = jnp.concatenate([o_ref[hh] for hh in range(H)], axis=1)
    x2 = x_ref[...] + jnp.dot(o2, wo_ref[...],
                              preferred_element_type=jnp.float32)
    x2_ref[...] = x2
    h2 = _rms(x2, ln2_ref[...])
    h2_ref[...] = h2
    logits = jnp.dot(h2, rw_ref[...], preferred_element_type=jnp.float32)

    eidx = lax.broadcasted_iota(jnp.int32, (S, E), 1)
    m0 = jnp.max(logits, axis=1, keepdims=True)
    i0 = jnp.min(jnp.where(logits == m0, eidx, E), axis=1, keepdims=True)
    lm = jnp.where(eidx == i0, jnp.float32(-1e30), logits)
    m1 = jnp.max(lm, axis=1, keepdims=True)
    i1 = jnp.min(jnp.where(lm == m1, eidx, E), axis=1, keepdims=True)
    w0 = 1.0 / (1.0 + jnp.exp(m1 - m0))
    w1 = 1.0 - w0

    oh0 = (eidx == i0).astype(jnp.float32)
    oh1 = (eidx == i1).astype(jnp.float32)
    c = jnp.concatenate([oh0, oh1], axis=0)
    sft = 1
    while sft < 2 * S:
        c = c + jnp.concatenate(
            [jnp.zeros((sft, E), jnp.float32), c[:-sft]], axis=0)
        sft *= 2
    cnt = c[2 * S - 1:2 * S, :]
    rank0 = jnp.sum(c[:S] * oh0, axis=1, keepdims=True) - 1.0
    rank1 = jnp.sum(c[S:] * oh1, axis=1, keepdims=True) - 1.0
    cnt_i = cnt.astype(jnp.int32)
    padded = ((cnt_i + TB - 1) >> 8) << 8
    tri = (lax.broadcasted_iota(jnp.int32, (E, E), 0)
           < lax.broadcasted_iota(jnp.int32, (E, E), 1)).astype(jnp.float32)
    poff = jnp.dot(padded.astype(jnp.float32), tri,
                   preferred_element_type=jnp.float32)
    slot0 = (jnp.sum(oh0 * poff, axis=1, keepdims=True) + rank0).astype(jnp.int32)
    slot1 = (jnp.sum(oh1 * poff, axis=1, keepdims=True) + rank1).astype(jnp.int32)
    zi = jnp.zeros((S, 6), jnp.int32)
    slots_ref[...] = jnp.concatenate([slot0, slot1, zi], axis=1)
    wts_ref[...] = jnp.concatenate(
        [w0, w1, jnp.zeros((S, 6), jnp.float32)], axis=1)

    bstart = lax.broadcasted_iota(jnp.int32, (32, E), 0) * TB
    poff_i = poff.astype(jnp.int32)
    be = jnp.sum((poff_i <= bstart).astype(jnp.int32), axis=1, keepdims=True) - 1
    be = jnp.clip(be, 0, E - 1)
    total = jnp.sum(padded, axis=1, keepdims=True)
    active = (bstart[:, 0:1] < total).astype(jnp.int32)
    be_ref[...] = jnp.concatenate(
        [be, active, jnp.zeros((32, 6), jnp.int32)], axis=1)


@functools.cache
def _make_sc_dispatch():
    mesh = plsc.VectorSubcoreMesh(core_axis_name="c", subcore_axis_name="s",
                                  num_cores=NC, num_subcores=NS)

    @functools.partial(
        pl.kernel,
        out_type=jax.ShapeDtypeStruct((CAP, D), jnp.float32),
        mesh=mesh,
        scratch_types=[
            pltpu.VMEM((A_PER,), jnp.int32),
            pltpu.VMEM((A_PER,), jnp.int32),
            pltpu.VMEM((A_PER, D), jnp.float32),
            pltpu.SemaphoreType.DMA,
            pltpu.SemaphoreType.DMA,
        ],
    )
    def dispatch(h2_hbm, slot_hbm, tok_hbm, out_hbm, tokv, slotv, rows,
                 sem1, sem2):
        wid = lax.axis_index("s") * NC + lax.axis_index("c")
        base = wid * A_PER
        pltpu.sync_copy(tok_hbm.at[pl.ds(base, A_PER)], tokv)
        pltpu.sync_copy(slot_hbm.at[pl.ds(base, A_PER)], slotv)
        pltpu.async_copy(h2_hbm.at[tokv], rows, sem1).wait()
        pltpu.async_copy(rows, out_hbm.at[slotv], sem2).wait()

    return dispatch


def _sc_dispatch(h2, slot_flat, tok_flat):
    return _make_sc_dispatch()(h2, slot_flat, tok_flat)


def _ffn_body(be_ref, x_ref, wg_ref, wu_ref, wd_ref, y_ref):
    b = pl.program_id(0)

    @pl.when(be_ref[b, 1] != 0)
    def _():
        xb = x_ref[...].astype(jnp.bfloat16)
        g = jnp.dot(xb, wg_ref[0].astype(jnp.bfloat16),
                    preferred_element_type=jnp.float32)
        u = jnp.dot(xb, wu_ref[0].astype(jnp.bfloat16),
                    preferred_element_type=jnp.float32)
        a = (jax.nn.silu(g) * u).astype(jnp.bfloat16)
        y_ref[...] = jnp.dot(a, wd_ref[0].astype(jnp.bfloat16),
                             preferred_element_type=jnp.float32)


@functools.cache
def _make_sc_combine():
    mesh = plsc.VectorSubcoreMesh(core_axis_name="c", subcore_axis_name="s",
                                  num_cores=NC, num_subcores=NS)

    @functools.partial(
        pl.kernel,
        out_type=(jax.ShapeDtypeStruct((S, D), jnp.float32),
                  jax.ShapeDtypeStruct((S, D), jnp.float32)),
        mesh=mesh,
        scratch_types=[
            pltpu.VMEM((T_PER,), jnp.int32),
            pltpu.VMEM((T_PER, D), jnp.float32),
            pltpu.SemaphoreType.DMA,
        ],
    )
    def combine(ys_hbm, pos0_hbm, pos1_hbm, y0_hbm, y1_hbm, idxv, buf, sem):
        wid = lax.axis_index("s") * NC + lax.axis_index("c")
        base = wid * T_PER
        pltpu.sync_copy(pos0_hbm.at[pl.ds(base, T_PER)], idxv)
        pltpu.async_copy(ys_hbm.at[idxv], buf, sem).wait()
        pltpu.sync_copy(buf, y0_hbm.at[pl.ds(base, T_PER)])
        pltpu.sync_copy(pos1_hbm.at[pl.ds(base, T_PER)], idxv)
        pltpu.async_copy(ys_hbm.at[idxv], buf, sem).wait()
        pltpu.sync_copy(buf, y1_hbm.at[pl.ds(base, T_PER)])

    return combine


def _sc_combine(y_sorted, slot0, slot1):
    return _make_sc_combine()(y_sorted, slot0, slot1)


def _final_body(x2_ref, wts_ref, y0_ref, y1_ref, out_ref):
    out_ref[...] = (x2_ref[...]
                    + wts_ref[:, 0:1] * y0_ref[...]
                    + wts_ref[:, 1:2] * y1_ref[...])


def kernel(x, ln1_w, wq, wk, wv, wo, router_w, w_gate, w_up, w_down, ln2_w):
    xf = x.reshape(S, D)
    ln1 = ln1_w.reshape(1, D)
    ln2 = ln2_w.reshape(1, D)

    pos = jnp.arange(S, dtype=jnp.float32)
    inv = 1.0 / (10000.0 ** (jnp.arange(0, HD, 2, dtype=jnp.float32) / HD))
    fr = pos[:, None] * inv[None, :]
    cos1 = jnp.concatenate([jnp.cos(fr), jnp.cos(fr)], axis=-1)
    sin1 = jnp.concatenate([jnp.sin(fr), jnp.sin(fr)], axis=-1)
    cq = jnp.concatenate([cos1] * H, axis=-1) * 0.125
    sq = jnp.concatenate([sin1] * H, axis=-1) * 0.125
    ck = jnp.concatenate([cos1] * KVH, axis=-1)
    sk = jnp.concatenate([sin1] * KVH, axis=-1)

    jj = jnp.arange(HD)
    rmat = jnp.zeros((HD, HD), jnp.float32).at[
        jj ^ (HD // 2), jj].set(jnp.where(jj < HD // 2, -1.0, 1.0))
    wqr = (wq.reshape(D, H, HD) @ rmat).reshape(D, H * HD)
    wkr = (wk.reshape(D, KVH, HD) @ rmat).reshape(D, KVH * HD)
    nsb = S // BQ
    q, k, v = pl.pallas_call(
        _qkv_body,
        grid=(nsb,),
        in_specs=[
            pl.BlockSpec((BQ, D), lambda i: (i, 0)),
            pl.BlockSpec((1, D), lambda i: (0, 0)),
            pl.BlockSpec((D, H * HD), lambda i: (0, 0)),
            pl.BlockSpec((D, H * HD), lambda i: (0, 0)),
            pl.BlockSpec((D, KVH * HD), lambda i: (0, 0)),
            pl.BlockSpec((D, KVH * HD), lambda i: (0, 0)),
            pl.BlockSpec((D, KVH * HD), lambda i: (0, 0)),
            pl.BlockSpec((BQ, H * HD), lambda i: (i, 0)),
            pl.BlockSpec((BQ, H * HD), lambda i: (i, 0)),
            pl.BlockSpec((BQ, KVH * HD), lambda i: (i, 0)),
            pl.BlockSpec((BQ, KVH * HD), lambda i: (i, 0)),
        ],
        out_specs=[
            pl.BlockSpec((H, BQ, HD), lambda i: (0, i, 0)),
            pl.BlockSpec((KVH, BQ, HD), lambda i: (0, i, 0)),
            pl.BlockSpec((KVH, BQ, HD), lambda i: (0, i, 0)),
        ],
        out_shape=[
            jax.ShapeDtypeStruct((H, S, HD), jnp.bfloat16),
            jax.ShapeDtypeStruct((KVH, S, HD), jnp.bfloat16),
            jax.ShapeDtypeStruct((KVH, S, HD), jnp.bfloat16),
        ],
    )(xf, ln1, wq, wqr, wk, wkr, wv, cq, sq, ck, sk)

    o = pl.pallas_call(
        _attn_body,
        grid=(H, S // BA),
        in_specs=[
            pl.BlockSpec((1, BA, HD), lambda h, i: (h, i, 0)),
            pl.BlockSpec((1, S, HD), lambda h, i: (h // REP, 0, 0)),
            pl.BlockSpec((1, S, HD), lambda h, i: (h // REP, 0, 0)),
        ],
        out_specs=pl.BlockSpec((1, BA, HD), lambda h, i: (h, i, 0)),
        out_shape=jax.ShapeDtypeStruct((H, S, HD), jnp.float32),
    )(q, k, v)

    x2, h2, slots, wts, be_arr = pl.pallas_call(
        _router_body,
        out_shape=[
            jax.ShapeDtypeStruct((S, D), jnp.float32),
            jax.ShapeDtypeStruct((S, D), jnp.float32),
            jax.ShapeDtypeStruct((S, E), jnp.int32),
            jax.ShapeDtypeStruct((S, E), jnp.float32),
            jax.ShapeDtypeStruct((32, E), jnp.int32),
        ],
    )(xf, o, wo, ln2, router_w)

    slot0 = slots[:, 0]
    slot1 = slots[:, 1]
    slot_flat = jnp.concatenate([slot0, slot1])
    tok_flat = jnp.concatenate(
        [jnp.arange(S, dtype=jnp.int32)] * 2)
    be = be_arr[:NBLK, :2]

    x_sorted = _sc_dispatch(h2, slot_flat, tok_flat)

    y_sorted = pl.pallas_call(
        _ffn_body,
        grid_spec=pltpu.PrefetchScalarGridSpec(
            num_scalar_prefetch=1,
            grid=(NBLK,),
            in_specs=[
                pl.BlockSpec((TB, D), lambda b, be_r: (b, 0)),
                pl.BlockSpec((1, D, F), lambda b, be_r: (be_r[b, 0], 0, 0)),
                pl.BlockSpec((1, D, F), lambda b, be_r: (be_r[b, 0], 0, 0)),
                pl.BlockSpec((1, F, D), lambda b, be_r: (be_r[b, 0], 0, 0)),
            ],
            out_specs=pl.BlockSpec((TB, D), lambda b, be_r: (b, 0)),
        ),
        out_shape=jax.ShapeDtypeStruct((CAP, D), jnp.float32),
        compiler_params=pltpu.CompilerParams(
            vmem_limit_bytes=100 * 1024 * 1024),
    )(be, x_sorted, w_gate, w_up, w_down)

    y0, y1 = _sc_combine(y_sorted, slot0, slot1)

    out = pl.pallas_call(
        _final_body,
        grid=(nsb,),
        in_specs=[
            pl.BlockSpec((BQ, D), lambda i: (i, 0)),
            pl.BlockSpec((BQ, E), lambda i: (i, 0)),
            pl.BlockSpec((BQ, D), lambda i: (i, 0)),
            pl.BlockSpec((BQ, D), lambda i: (i, 0)),
        ],
        out_specs=pl.BlockSpec((BQ, D), lambda i: (i, 0)),
        out_shape=jax.ShapeDtypeStruct((S, D), jnp.float32),
    )(x2, wts, y0, y1)

    return out.reshape(B, S, D)

# --- scband reference (transcript-rebuilt; emitter-appended) ---
"""Pipeline reference for scband-mixtral-decoder-layer-47450798686725 (READ-ONLY COPY).

The authoritative reference and input builder live on the scoring server;
editing this copy changes nothing except your own understanding.
"""

import jax, jax.numpy as jnp
import numpy as np

B, S, D = 1, 2048, 768
H, KVH, HD = 12, 4, 64
E, K = 8, 2
F = 2688
EPS = 1e-06


def setup_inputs(seed: int = 0) -> dict:
    key = jax.random.key(seed)
    ks = jax.random.split(key, 10)
    s = 0.02
    return {
        "x": jax.random.normal(ks[0], (B, S, D), dtype=jnp.float32),
        "ln1_w": jnp.ones((D,), dtype=jnp.float32),
        "wq": jax.random.normal(ks[1], (D, H * HD), dtype=jnp.float32) * s,
        "wk": jax.random.normal(ks[2], (D, KVH * HD), dtype=jnp.float32) * s,
        "wv": jax.random.normal(ks[3], (D, KVH * HD), dtype=jnp.float32) * s,
        "wo": jax.random.normal(ks[4], (H * HD, D), dtype=jnp.float32) * s,
        "router_w": jax.random.normal(ks[5], (D, E), dtype=jnp.float32) * s,
        "w_gate": jax.random.normal(ks[6], (E, D, F), dtype=jnp.float32) * s,
        "w_up": jax.random.normal(ks[7], (E, D, F), dtype=jnp.float32) * s,
        "w_down": jax.random.normal(ks[8], (E, F, D), dtype=jnp.float32) * s,
        "ln2_w": jnp.ones((D,), dtype=jnp.float32),
    }


def _rms(x, w):
    return x * jax.lax.rsqrt(jnp.mean(x * x, axis=-1, keepdims=True) + EPS) * w


def _rope(x):
    # x: [B, S, n_heads, HD], llama/mixtral-style rotary embedding
    pos = jnp.arange(S, dtype=jnp.float32)
    inv = 1.0 / (10000.0 ** (jnp.arange(0, HD, 2, dtype=jnp.float32) / HD))
    fr = pos[:, None] * inv[None, :]  # [S, HD/2]
    cos = jnp.concatenate([jnp.cos(fr), jnp.cos(fr)], axis=-1)[None, :, None, :]
    sin = jnp.concatenate([jnp.sin(fr), jnp.sin(fr)], axis=-1)[None, :, None, :]
    x1, x2 = jnp.split(x, 2, axis=-1)
    rot = jnp.concatenate([-x2, x1], axis=-1)
    return x * cos + rot * sin


def reference(x, ln1_w, wq, wk, wv, wo, router_w, w_gate, w_up, w_down, ln2_w):
    # ---- self-attention block (GQA + RoPE, causal; seq_len < sliding_window so pure causal) ----
    h = _rms(x, ln1_w)
    q = (h @ wq).reshape(B, S, H, HD)
    k = (h @ wk).reshape(B, S, KVH, HD)
    v = (h @ wv).reshape(B, S, KVH, HD)
    q = _rope(q)
    k = _rope(k)
    rep = H // KVH
    k = jnp.repeat(k, rep, axis=2)
    v = jnp.repeat(v, rep, axis=2)
    scores = jnp.einsum('bqhd,bkhd->bhqk', q, k) / np.sqrt(HD).astype(np.float32)
    causal = jnp.tril(jnp.ones((S, S), dtype=bool))
    scores = jnp.where(causal[None, None, :, :], scores, jnp.float32(-1e9))
    attn = jax.nn.softmax(scores, axis=-1)
    o = jnp.einsum('bhqk,bkhd->bqhd', attn, v).reshape(B, S, H * HD)
    x = x + o @ wo
    # ---- sparse MoE block (softmax router, top-2, renormalized combine weights) ----
    h2 = _rms(x, ln2_w)
    flat = h2.reshape(B * S, D)
    logits = flat @ router_w
    probs = jax.nn.softmax(logits, axis=-1)
    topw, topi = jax.lax.top_k(probs, K)
    topw = topw / jnp.sum(topw, axis=-1, keepdims=True)
    cw = jnp.zeros((B * S, E), dtype=jnp.float32)
    for kk in range(K):
        cw = cw + topw[:, kk:kk + 1] * jax.nn.one_hot(topi[:, kk], E, dtype=jnp.float32)
    y = jnp.zeros((B * S, D), dtype=jnp.float32)
    for e in range(E):
        ge = jax.nn.silu(flat @ w_gate[e]) * (flat @ w_up[e])
        y = y + cw[:, e:e + 1] * (ge @ w_down[e])
    return x + y.reshape(B, S, D)

if __name__ == "__main__":
    import jax
    _d = setup_inputs()
    print(jax.jit(kernel)(*tuple(_d.values())))

</pallas_src>

<mosaic_0001>
#map = affine_map<(d0, d1) -> (0, 0)>
#map1 = affine_map<(d0, d1) -> (0)>
module attributes {stable_mosaic.version = 14 : i64} {
  func.func @dispatch(%arg0: i32, %arg1: i32, %arg2: memref<2048x768xf32, #tpu.memory_space<hbm>>, %arg3: memref<4096xi32, #tpu.memory_space<hbm>>, %arg4: memref<4096xi32, #tpu.memory_space<hbm>>, %arg5: memref<6144x768xf32, #tpu.memory_space<hbm>>, %arg6: memref<128xi32, #tpu.memory_space<vmem>>, %arg7: memref<128xi32, #tpu.memory_space<vmem>>, %arg8: memref<128x768xf32, #tpu.memory_space<vmem>>, %arg9: memref<!tpu.dma_semaphore, #tpu.memory_space<semaphore_mem>>, %arg10: memref<!tpu.dma_semaphore, #tpu.memory_space<semaphore_mem>>) attributes {dimension_semantics = [#tpu.dimension_semantics<core_parallel>, #tpu.dimension_semantics<subcore_parallel>], iteration_bounds = array<i64: 2, 16>, scalar_prefetch = 0 : i64, scratch_operands = 5 : i64, tpu.core_type = #tpu.core_type<sc_vector_subcore>, window_params = [{transform_indices = #map}, {transform_indices = #map1}, {transform_indices = #map1}, {transform_indices = #map}]} {
    %mul3A = arith.constant 2 : i32
    %mul3A_0 = arith.muli %arg1, %mul3A : i32
    %add3A = arith.addi %mul3A_0, %arg0 : i32
    %mul3A_1 = arith.constant 128 : i32
    %mul3A_2 = arith.muli %add3A, %mul3A_1 : i32
    "tpu.region"() ({
      %run_scoped3A = tpu.sem_alloc : memref<!tpu.dma_semaphore, #tpu.memory_space<semaphore_mem>>
      %dma_start3A_13 = tpu.memref_slice %arg4[%mul3A_2] : memref<4096xi32, #tpu.memory_space<hbm>> -> memref<128xi32, #tpu.memory_space<hbm>>
      %dma_start3A_14 = tpu.memref_slice %arg4[%mul3A_2] : memref<4096xi32, #tpu.memory_space<hbm>> -> memref<128xi32, #tpu.memory_space<hbm>>
      tpu.enqueue_dma source(%dma_start3A_14 : memref<128xi32, #tpu.memory_space<hbm>>) target(%arg6 : memref<128xi32, #tpu.memory_space<vmem>>) target_semaphore(%run_scoped3A : memref<!tpu.dma_semaphore, #tpu.memory_space<semaphore_mem>>)
      %dma_wait3A_15 = tpu.memref_slice %arg4[%mul3A_2] : memref<4096xi32, #tpu.memory_space<hbm>> -> memref<128xi32, #tpu.memory_space<hbm>>
      %dma_wait3A_16 = tpu.memref_slice %arg4[%mul3A_2] : memref<4096xi32, #tpu.memory_space<hbm>> -> memref<128xi32, #tpu.memory_space<hbm>>
      tpu.wait_dma2 semaphore(%run_scoped3A : memref<!tpu.dma_semaphore, #tpu.memory_space<semaphore_mem>>) src(%dma_wait3A_16 : memref<128xi32, #tpu.memory_space<hbm>>) dst(%arg6 : memref<128xi32, #tpu.memory_space<vmem>>)
      tpu.yield
    }) : () -> ()
    "tpu.region"() ({
      %run_scoped3A = tpu.sem_alloc : memref<!tpu.dma_semaphore, #tpu.memory_space<semaphore_mem>>
      %dma_start3A_13 = tpu.memref_slice %arg3[%mul3A_2] : memref<4096xi32, #tpu.memory_space<hbm>> -> memref<128xi32, #tpu.memory_space<hbm>>
      %dma_start3A_14 = tpu.memref_slice %arg3[%mul3A_2] : memref<4096xi32, #tpu.memory_space<hbm>> -> memref<128xi32, #tpu.memory_space<hbm>>
      tpu.enqueue_dma source(%dma_start3A_14 : memref<128xi32, #tpu.memory_space<hbm>>) target(%arg7 : memref<128xi32, #tpu.memory_space<vmem>>) target_semaphore(%run_scoped3A : memref<!tpu.dma_semaphore, #tpu.memory_space<semaphore_mem>>)
      %dma_wait3A_15 = tpu.memref_slice %arg3[%mul3A_2] : memref<4096xi32, #tpu.memory_space<hbm>> -> memref<128xi32, #tpu.memory_space<hbm>>
      %dma_wait3A_16 = tpu.memref_slice %arg3[%mul3A_2] : memref<4096xi32, #tpu.memory_space<hbm>> -> memref<128xi32, #tpu.memory_space<hbm>>
      tpu.wait_dma2 semaphore(%run_scoped3A : memref<!tpu.dma_semaphore, #tpu.memory_space<semaphore_mem>>) src(%dma_wait3A_16 : memref<128xi32, #tpu.memory_space<hbm>>) dst(%arg7 : memref<128xi32, #tpu.memory_space<vmem>>)
      tpu.yield
    }) : () -> ()
    %dma_start3A = arith.constant 0 : i32
    %dma_start3A_3 = arith.constant 0 : i32
    %dma_start3A_4 = tpu.memref_slice %arg2[%dma_start3A, %dma_start3A_3] : memref<2048x768xf32, #tpu.memory_space<hbm>> -> memref<2048x768xf32, #tpu.memory_space<hbm>>
    tpu.enqueue_indirect_dma source(%dma_start3A_4 : memref<2048x768xf32, #tpu.memory_space<hbm>>) target(%arg8 : memref<128x768xf32, #tpu.memory_space<vmem>>) offsets(%arg6 : memref<128xi32, #tpu.memory_space<vmem>>) semaphore(%arg9 : memref<!tpu.dma_semaphore, #tpu.memory_space<semaphore_mem>>)
    %dma_wait3A = arith.constant 0 : i32
    %dma_wait3A_5 = arith.constant 0 : i32
    %dma_wait3A_6 = tpu.memref_slice %arg2[%dma_wait3A, %dma_wait3A_5] : memref<2048x768xf32, #tpu.memory_space<hbm>> -> memref<2048x768xf32, #tpu.memory_space<hbm>>
    tpu.wait_indirect_dma semaphore(%arg9 : memref<!tpu.dma_semaphore, #tpu.memory_space<semaphore_mem>>) src(%dma_wait3A_6 : memref<2048x768xf32, #tpu.memory_space<hbm>>) dst(%arg8 : memref<128x768xf32, #tpu.memory_space<vmem>>)
    %dma_start3A_7 = arith.constant 0 : i32
    %dma_start3A_8 = arith.constant 0 : i32
    %dma_start3A_9 = tpu.memref_slice %arg5[%dma_start3A_7, %dma_start3A_8] : memref<6144x768xf32, #tpu.memory_space<hbm>> -> memref<6144x768xf32, #tpu.memory_space<hbm>>
    tpu.enqueue_indirect_dma source(%arg8 : memref<128x768xf32, #tpu.memory_space<vmem>>) target(%dma_start3A_9 : memref<6144x768xf32, #tpu.memory_space<hbm>>) offsets(%arg7 : memref<128xi32, #tpu.memory_space<vmem>>) semaphore(%arg10 : memref<!tpu.dma_semaphore, #tpu.memory_space<semaphore_mem>>)
    %dma_wait3A_10 = arith.constant 0 : i32
    %dma_wait3A_11 = arith.constant 0 : i32
    %dma_wait3A_12 = tpu.memref_slice %arg5[%dma_wait3A_10, %dma_wait3A_11] : memref<6144x768xf32, #tpu.memory_space<hbm>> -> memref<6144x768xf32, #tpu.memory_space<hbm>>
    tpu.wait_indirect_dma semaphore(%arg10 : memref<!tpu.dma_semaphore, #tpu.memory_space<semaphore_mem>>) src(%arg8 : memref<128x768xf32, #tpu.memory_space<vmem>>) dst(%dma_wait3A_12 : memref<6144x768xf32, #tpu.memory_space<hbm>>)
    return
  }
}

#map = affine_map<(d0, d1) -> (0, 0)>
#map1 = affine_map<(d0, d1) -> (0)>
module attributes {stable_mosaic.version = 14 : i64} {
  func.func @combine(%arg0: i32, %arg1: i32, %arg2: memref<6144x768xf32, #tpu.memory_space<hbm>>, %arg3: memref<2048xi32, #tpu.memory_space<hbm>>, %arg4: memref<2048xi32, #tpu.memory_space<hbm>>, %arg5: memref<2048x768xf32, #tpu.memory_space<hbm>>, %arg6: memref<2048x768xf32, #tpu.memory_space<hbm>>, %arg7: memref<64xi32, #tpu.memory_space<vmem>>, %arg8: memref<64x768xf32, #tpu.memory_space<vmem>>, %arg9: memref<!tpu.dma_semaphore, #tpu.memory_space<semaphore_mem>>) attributes {dimension_semantics = [#tpu.dimension_semantics<core_parallel>, #tpu.dimension_semantics<subcore_parallel>], iteration_bounds = array<i64: 2, 16>, scalar_prefetch = 0 : i64, scratch_operands = 3 : i64, tpu.core_type = #tpu.core_type<sc_vector_subcore>, window_params = [{transform_indices = #map}, {transform_indices = #map1}, {transform_indices = #map1}, {transform_indices = #map}, {transform_indices = #map}]} {
    %mul3A = arith.constant 2 : i32
    %mul3A_0 = arith.muli %arg1, %mul3A : i32
    %add3A = arith.addi %mul3A_0, %arg0 : i32
    %mul3A_1 = arith.constant 64 : i32
    %mul3A_2 = arith.muli %add3A, %mul3A_1 : i32
    "tpu.region"() ({
      %run_scoped3A = tpu.sem_alloc : memref<!tpu.dma_semaphore, #tpu.memory_space<semaphore_mem>>
      %dma_start3A_13 = tpu.memref_slice %arg3[%mul3A_2] : memref<2048xi32, #tpu.memory_space<hbm>> -> memref<64xi32, #tpu.memory_space<hbm>>
      %dma_start3A_14 = tpu.memref_slice %arg3[%mul3A_2] : memref<2048xi32, #tpu.memory_space<hbm>> -> memref<64xi32, #tpu.memory_space<hbm>>
      tpu.enqueue_dma source(%dma_start3A_14 : memref<64xi32, #tpu.memory_space<hbm>>) target(%arg7 : memref<64xi32, #tpu.memory_space<vmem>>) target_semaphore(%run_scoped3A : memref<!tpu.dma_semaphore, #tpu.memory_space<semaphore_mem>>)
      %dma_wait3A_15 = tpu.memref_slice %arg3[%mul3A_2] : memref<2048xi32, #tpu.memory_space<hbm>> -> memref<64xi32, #tpu.memory_space<hbm>>
      %dma_wait3A_16 = tpu.memref_slice %arg3[%mul3A_2] : memref<2048xi32, #tpu.memory_space<hbm>> -> memref<64xi32, #tpu.memory_space<hbm>>
      tpu.wait_dma2 semaphore(%run_scoped3A : memref<!tpu.dma_semaphore, #tpu.memory_space<semaphore_mem>>) src(%dma_wait3A_16 : memref<64xi32, #tpu.memory_space<hbm>>) dst(%arg7 : memref<64xi32, #tpu.memory_space<vmem>>)
      tpu.yield
    }) : () -> ()
    %dma_start3A = arith.constant 0 : i32
    %dma_start3A_3 = arith.constant 0 : i32
    %dma_start3A_4 = tpu.memref_slice %arg2[%dma_start3A, %dma_start3A_3] : memref<6144x768xf32, #tpu.memory_space<hbm>> -> memref<6144x768xf32, #tpu.memory_space<hbm>>
    tpu.enqueue_indirect_dma source(%dma_start3A_4 : memref<6144x768xf32, #tpu.memory_space<hbm>>) target(%arg8 : memref<64x768xf32, #tpu.memory_space<vmem>>) offsets(%arg7 : memref<64xi32, #tpu.memory_space<vmem>>) semaphore(%arg9 : memref<!tpu.dma_semaphore, #tpu.memory_space<semaphore_mem>>)
    %dma_wait3A = arith.constant 0 : i32
    %dma_wait3A_5 = arith.constant 0 : i32
    %dma_wait3A_6 = tpu.memref_slice %arg2[%dma_wait3A, %dma_wait3A_5] : memref<6144x768xf32, #tpu.memory_space<hbm>> -> memref<6144x768xf32, #tpu.memory_space<hbm>>
    tpu.wait_indirect_dma semaphore(%arg9 : memref<!tpu.dma_semaphore, #tpu.memory_space<semaphore_mem>>) src(%dma_wait3A_6 : memref<6144x768xf32, #tpu.memory_space<hbm>>) dst(%arg8 : memref<64x768xf32, #tpu.memory_space<vmem>>)
    "tpu.region"() ({
      %run_scoped3A = tpu.sem_alloc : memref<!tpu.dma_semaphore, #tpu.memory_space<semaphore_mem>>
      %dma_start3A_13 = arith.constant 0 : i32
      %dma_start3A_14 = tpu.memref_slice %arg5[%mul3A_2, %dma_start3A_13] : memref<2048x768xf32, #tpu.memory_space<hbm>> -> memref<64x768xf32, #tpu.memory_space<hbm>>
      %dma_start3A_15 = arith.constant 0 : i32
      %dma_start3A_16 = tpu.memref_slice %arg5[%mul3A_2, %dma_start3A_15] : memref<2048x768xf32, #tpu.memory_space<hbm>> -> memref<64x768xf32, #tpu.memory_space<hbm>>
      tpu.enqueue_dma source(%arg8 : memref<64x768xf32, #tpu.memory_space<vmem>>) target(%dma_start3A_16 : memref<64x768xf32, #tpu.memory_space<hbm>>) target_semaphore(%run_scoped3A : memref<!tpu.dma_semaphore, #tpu.memory_space<semaphore_mem>>)
      %dma_wait3A_17 = arith.constant 0 : i32
      %dma_wait3A_18 = tpu.memref_slice %arg5[%mul3A_2, %dma_wait3A_17] : memref<2048x768xf32, #tpu.memory_space<hbm>> -> memref<64x768xf32, #tpu.memory_space<hbm>>
      %dma_wait3A_19 = arith.constant 0 : i32
      %dma_wait3A_20 = tpu.memref_slice %arg5[%mul3A_2, %dma_wait3A_19] : memref<2048x768xf32, #tpu.memory_space<hbm>> -> memref<64x768xf32, #tpu.memory_space<hbm>>
      tpu.wait_dma2 semaphore(%run_scoped3A : memref<!tpu.dma_semaphore, #tpu.memory_space<semaphore_mem>>) src(%arg8 : memref<64x768xf32, #tpu.memory_space<vmem>>) dst(%dma_wait3A_20 : memref<64x768xf32, #tpu.memory_space<hbm>>)
      tpu.yield
    }) : () -> ()
    "tpu.region"() ({
      %run_scoped3A = tpu.sem_alloc : memref<!tpu.dma_semaphore, #tpu.memory_space<semaphore_mem>>
      %dma_start3A_13 = tpu.memref_slice %arg4[%mul3A_2] : memref<2048xi32, #tpu.memory_space<hbm>> -> memref<64xi32, #tpu.memory_space<hbm>>
      %dma_start3A_14 = tpu.memref_slice %arg4[%mul3A_2] : memref<2048xi32, #tpu.memory_space<hbm>> -> memref<64xi32, #tpu.memory_space<hbm>>
      tpu.enqueue_dma source(%dma_start3A_14 : memref<64xi32, #tpu.memory_space<hbm>>) target(%arg7 : memref<64xi32, #tpu.memory_space<vmem>>) target_semaphore(%run_scoped3A : memref<!tpu.dma_semaphore, #tpu.memory_space<semaphore_mem>>)
      %dma_wait3A_15 = tpu.memref_slice %arg4[%mul3A_2] : memref<2048xi32, #tpu.memory_space<hbm>> -> memref<64xi32, #tpu.memory_space<hbm>>
      %dma_wait3A_16 = tpu.memref_slice %arg4[%mul3A_2] : memref<2048xi32, #tpu.memory_space<hbm>> -> memref<64xi32, #tpu.memory_space<hbm>>
      tpu.wait_dma2 semaphore(%run_scoped3A : memref<!tpu.dma_semaphore, #tpu.memory_space<semaphore_mem>>) src(%dma_wait3A_16 : memref<64xi32, #tpu.memory_space<hbm>>) dst(%arg7 : memref<64xi32, #tpu.memory_space<vmem>>)
      tpu.yield
    }) : () -> ()
    %dma_start3A_7 = arith.constant 0 : i32
    %dma_start3A_8 = arith.constant 0 : i32
    %dma_start3A_9 = tpu.memref_slice %arg2[%dma_start3A_7, %dma_start3A_8] : memref<6144x768xf32, #tpu.memory_space<hbm>> -> memref<6144x768xf32, #tpu.memory_space<hbm>>
    tpu.enqueue_indirect_dma source(%dma_start3A_9 : memref<6144x768xf32, #tpu.memory_space<hbm>>) target(%arg8 : memref<64x768xf32, #tpu.memory_space<vmem>>) offsets(%arg7 : memref<64xi32, #tpu.memory_space<vmem>>) semaphore(%arg9 : memref<!tpu.dma_semaphore, #tpu.memory_space<semaphore_mem>>)
    %dma_wait3A_10 = arith.constant 0 : i32
    %dma_wait3A_11 = arith.constant 0 : i32
    %dma_wait3A_12 = tpu.memref_slice %arg2[%dma_wait3A_10, %dma_wait3A_11] : memref<6144x768xf32, #tpu.memory_space<hbm>> -> memref<6144x768xf32, #tpu.memory_space<hbm>>
    tpu.wait_indirect_dma semaphore(%arg9 : memref<!tpu.dma_semaphore, #tpu.memory_space<semaphore_mem>>) src(%dma_wait3A_12 : memref<6144x768xf32, #tpu.memory_space<hbm>>) dst(%arg8 : memref<64x768xf32, #tpu.memory_space<vmem>>)
    "tpu.region"() ({
      %run_scoped3A = tpu.sem_alloc : memref<!tpu.dma_semaphore, #tpu.memory_space<semaphore_mem>>
      %dma_start3A_13 = arith.constant 0 : i32
      %dma_start3A_14 = tpu.memref_slice %arg6[%mul3A_2, %dma_start3A_13] : memref<2048x768xf32, #tpu.memory_space<hbm>> -> memref<64x768xf32, #tpu.memory_space<hbm>>
      %dma_start3A_15 = arith.constant 0 : i32
      %dma_start3A_16 = tpu.memref_slice %arg6[%mul3A_2, %dma_start3A_15] : memref<2048x768xf32, #tpu.memory_space<hbm>> -> memref<64x768xf32, #tpu.memory_space<hbm>>
      tpu.enqueue_dma source(%arg8 : memref<64x768xf32, #tpu.memory_space<vmem>>) target(%dma_start3A_16 : memref<64x768xf32, #tpu.memory_space<hbm>>) target_semaphore(%run_scoped3A : memref<!tpu.dma_semaphore, #tpu.memory_space<semaphore_mem>>)
      %dma_wait3A_17 = arith.constant 0 : i32
      %dma_wait3A_18 = tpu.memref_slice %arg6[%mul3A_2, %dma_wait3A_17] : memref<2048x768xf32, #tpu.memory_space<hbm>> -> memref<64x768xf32, #tpu.memory_space<hbm>>
      %dma_wait3A_19 = arith.constant 0 : i32
      %dma_wait3A_20 = tpu.memref_slice %arg6[%mul3A_2, %dma_wait3A_19] : memref<2048x768xf32, #tpu.memory_space<hbm>> -> memref<64x768xf32, #tpu.memory_space<hbm>>
      tpu.wait_dma2 semaphore(%run_scoped3A : memref<!tpu.dma_semaphore, #tpu.memory_space<semaphore_mem>>) src(%arg8 : memref<64x768xf32, #tpu.memory_space<vmem>>) dst(%dma_wait3A_20 : memref<64x768xf32, #tpu.memory_space<hbm>>)
      tpu.yield
    }) : () -> ()
    return
  }
}

module attributes {stable_mosaic.version = 14 : i64} {
  func.func @_qkv_body(%arg0: i32, %arg1: memref<256x768xf32, #tpu.memory_space<vmem>>, %arg2: memref<1x768xf32, #tpu.memory_space<vmem>>, %arg3: memref<768x768xf32, #tpu.memory_space<vmem>>, %arg4: memref<768x768xf32, #tpu.memory_space<vmem>>, %arg5: memref<768x256xf32, #tpu.memory_space<vmem>>, %arg6: memref<768x256xf32, #tpu.memory_space<vmem>>, %arg7: memref<768x256xf32, #tpu.memory_space<vmem>>, %arg8: memref<256x768xf32, #tpu.memory_space<vmem>>, %arg9: memref<256x768xf32, #tpu.memory_space<vmem>>, %arg10: memref<256x256xf32, #tpu.memory_space<vmem>>, %arg11: memref<256x256xf32, #tpu.memory_space<vmem>>, %arg12: memref<12x256x64xbf16, #tpu.memory_space<vmem>>, %arg13: memref<4x256x64xbf16, #tpu.memory_space<vmem>>, %arg14: memref<4x256x64xbf16, #tpu.memory_space<vmem>>) attributes {dimension_semantics = [#tpu.dimension_semantics<arbitrary>], iteration_bounds = array<i64: 8>, scalar_prefetch = 0 : i64, scratch_operands = 0 : i64, tpu.core_type = #tpu.core_type<tc>, window_params = [{transform_indices = @transform_0, window_bounds = array<i64: 256, 768>}, {pipeline_mode = #tpu.pipeline_mode<synchronous>, transform_indices = @transform_1, window_bounds = array<i64: 1, 768>}, {pipeline_mode = #tpu.pipeline_mode<synchronous>, transform_indices = @transform_2, window_bounds = array<i64: 768, 768>}, {pipeline_mode = #tpu.pipeline_mode<synchronous>, transform_indices = @transform_3, window_bounds = array<i64: 768, 768>}, {pipeline_mode = #tpu.pipeline_mode<synchronous>, transform_indices = @transform_4, window_bounds = array<i64: 768, 256>}, {pipeline_mode = #tpu.pipeline_mode<synchronous>, transform_indices = @transform_5, window_bounds = array<i64: 768, 256>}, {pipeline_mode = #tpu.pipeline_mode<synchronous>, transform_indices = @transform_6, window_bounds = array<i64: 768, 256>}, {transform_indices = @transform_7, window_bounds = array<i64: 256, 768>}, {transform_indices = @transform_8, window_bounds = array<i64: 256, 768>}, {transform_indices = @transform_9, window_bounds = array<i64: 256, 256>}, {transform_indices = @transform_10, window_bounds = array<i64: 256, 256>}, {transform_indices = @transform_11, window_bounds = array<i64: 12, 256, 64>}, {transform_indices = @transform_12, window_bounds = array<i64: 4, 256, 64>}, {transform_indices = @transform_13, window_bounds = array<i64: 4, 256, 64>}]} {
    %get3A = arith.constant 0 : index
    %get3A_0 = arith.constant 0 : index
    %get3A_1 = vector.load %arg1[%get3A, %get3A_0] : memref<256x768xf32, #tpu.memory_space<vmem>>, vector<256x768xf32>
    %get3A_2 = arith.constant 0 : index
    %get3A_3 = arith.constant 0 : index
    %get3A_4 = vector.load %arg2[%get3A_2, %get3A_3] : memref<1x768xf32, #tpu.memory_space<vmem>>, vector<1x768xf32>
    %mul3A = arith.mulf %get3A_1, %get3A_1 : vector<256x768xf32>
    %reduce_sum3A = arith.constant dense<0.000000e+00> : vector<256xf32>
    %reduce_sum3A_5 = vector.multi_reduction <add>, %mul3A, %reduce_sum3A [1] : vector<256x768xf32> to vector<256xf32>
    %broadcast_in_dim3A = vector.shape_cast %reduce_sum3A_5 : vector<256xf32> to vector<256x1xf32>
    %div3A = arith.constant 7.680000e+02 : f32
    %div3A_6 = vector.broadcast %div3A : f32 to vector<256x1xf32>
    %div3A_7 = arith.divf %broadcast_in_dim3A, %div3A_6 : vector<256x1xf32>
    %add3A = arith.constant 9.99999997E-7 : f32
    %add3A_8 = vector.broadcast %add3A : f32 to vector<256x1xf32>
    %add3A_9 = arith.addf %div3A_7, %add3A_8 : vector<256x1xf32>
    %rsqrt3A = math.rsqrt %add3A_9 : vector<256x1xf32>
    %mul3A_10 = vector.broadcast %rsqrt3A : vector<256x1xf32> to vector<256x768xf32>
    %mul3A_11 = arith.mulf %get3A_1, %mul3A_10 : vector<256x768xf32>
    %mul3A_12 = vector.broadcast %get3A_4 : vector<1x768xf32> to vector<256x768xf32>
    %mul3A_13 = arith.mulf %mul3A_11, %mul3A_12 : vector<256x768xf32>
    %convert_element_type3A = arith.truncf %mul3A_13 : vector<256x768xf32> to vector<256x768xbf16>
    %get3A_14 = arith.constant 0 : index
    %get3A_15 = arith.constant 0 : index
    %get3A_16 = vector.load %arg3[%get3A_14, %get3A_15] : memref<768x768xf32, #tpu.memory_space<vmem>>, vector<768x768xf32>
    %convert_element_type3A_17 = arith.truncf %get3A_16 : vector<768x768xf32> to vector<768x768xbf16>
    %dot_general3A = arith.constant dense<0.000000e+00> : vector<256x768xf32>
    %dot_general3A_18 = tpu.matmul %convert_element_type3A, %convert_element_type3A_17, %dot_general3A {dimension_numbers = #tpu.dot_dimension_numbers<[1], [0], [0], [1], [0, 0, 1, 1], [], []>, transpose_lhs_hint = false} : vector<256x768xbf16>, vector<768x768xbf16>, vector<256x768xf32> -> vector<256x768xf32>
    %get3A_19 = arith.constant 0 : index
    %get3A_20 = arith.constant 0 : index
    %get3A_21 = vector.load %arg4[%get3A_19, %get3A_20] : memref<768x768xf32, #tpu.memory_space<vmem>>, vector<768x768xf32>
    %convert_element_type3A_22 = arith.truncf %get3A_21 : vector<768x768xf32> to vector<768x768xbf16>
    %dot_general3A_23 = arith.constant dense<0.000000e+00> : vector<256x768xf32>
    %dot_general3A_24 = tpu.matmul %convert_element_type3A, %convert_element_type3A_22, %dot_general3A_23 {dimension_numbers = #tpu.dot_dimension_numbers<[1], [0], [0], [1], [0, 0, 1, 1], [], []>, transpose_lhs_hint = false} : vector<256x768xbf16>, vector<768x768xbf16>, vector<256x768xf32> -> vector<256x768xf32>
    %get3A_25 = arith.constant 0 : index
    %get3A_26 = arith.constant 0 : index
    %get3A_27 = vector.load %arg5[%get3A_25, %get3A_26] : memref<768x256xf32, #tpu.memory_space<vmem>>, vector<768x256xf32>
    %convert_element_type3A_28 = arith.truncf %get3A_27 : vector<768x256xf32> to vector<768x256xbf16>
    %dot_general3A_29 = arith.constant dense<0.000000e+00> : vector<256x256xf32>
    %dot_general3A_30 = tpu.matmul %convert_element_type3A, %convert_element_type3A_28, %dot_general3A_29 {dimension_numbers = #tpu.dot_dimension_numbers<[1], [0], [0], [1], [0, 0, 1, 1], [], []>, transpose_lhs_hint = false} : vector<256x768xbf16>, vector<768x256xbf16>, vector<256x256xf32> -> vector<256x256xf32>
    %get3A_31 = arith.constant 0 : index
    %get3A_32 = arith.constant 0 : index
    %get3A_33 = vector.load %arg6[%get3A_31, %get3A_32] : memref<768x256xf32, #tpu.memory_space<vmem>>, vector<768x256xf32>
    %convert_element_type3A_34 = arith.truncf %get3A_33 : vector<768x256xf32> to vector<768x256xbf16>
    %dot_general3A_35 = arith.constant dense<0.000000e+00> : vector<256x256xf32>
    %dot_general3A_36 = tpu.matmul %convert_element_type3A, %convert_element_type3A_34, %dot_general3A_35 {dimension_numbers = #tpu.dot_dimension_numbers<[1], [0], [0], [1], [0, 0, 1, 1], [], []>, transpose_lhs_hint = false} : vector<256x768xbf16>, vector<768x256xbf16>, vector<256x256xf32> -> vector<256x256xf32>
    %get3A_37 = arith.constant 0 : index
    %get3A_38 = arith.constant 0 : index
    %get3A_39 = vector.load %arg7[%get3A_37, %get3A_38] : memref<768x256xf32, #tpu.memory_space<vmem>>, vector<768x256xf32>
    %convert_element_type3A_40 = arith.truncf %get3A_39 : vector<768x256xf32> to vector<768x256xbf16>
    %dot_general3A_41 = arith.constant dense<0.000000e+00> : vector<256x256xf32>
    %dot_general3A_42 = tpu.matmul %convert_element_type3A, %convert_element_type3A_40, %dot_general3A_41 {dimension_numbers = #tpu.dot_dimension_numbers<[1], [0], [0], [1], [0, 0, 1, 1], [], []>, transpose_lhs_hint = false} : vector<256x768xbf16>, vector<768x256xbf16>, vector<256x256xf32> -> vector<256x256xf32>
    %get3A_43 = arith.constant 0 : index
    %get3A_44 = arith.constant 0 : index
    %get3A_45 = vector.load %arg8[%get3A_43, %get3A_44] : memref<256x768xf32, #tpu.memory_space<vmem>>, vector<256x768xf32>
    %mul3A_46 = arith.mulf %dot_general3A_18, %get3A_45 : vector<256x768xf32>
    %get3A_47 = arith.constant 0 : index
    %get3A_48 = arith.constant 0 : index
    %get3A_49 = vector.load %arg9[%get3A_47, %get3A_48] : memref<256x768xf32, #tpu.memory_space<vmem>>, vector<256x768xf32>
    %mul3A_50 = arith.mulf %dot_general3A_24, %get3A_49 : vector<256x768xf32>
    %add3A_51 = arith.addf %mul3A_46, %mul3A_50 : vector<256x768xf32>
    %convert_element_type3A_52 = arith.truncf %add3A_51 : vector<256x768xf32> to vector<256x768xbf16>
    %get3A_53 = arith.constant 0 : index
    %get3A_54 = arith.constant 0 : index
    %get3A_55 = vector.load %arg10[%get3A_53, %get3A_54] : memref<256x256xf32, #tpu.memory_space<vmem>>, vector<256x256xf32>
    %mul3A_56 = arith.mulf %dot_general3A_30, %get3A_55 : vector<256x256xf32>
    %get3A_57 = arith.constant 0 : index
    %get3A_58 = arith.constant 0 : index
    %get3A_59 = vector.load %arg11[%get3A_57, %get3A_58] : memref<256x256xf32, #tpu.memory_space<vmem>>, vector<256x256xf32>
    %mul3A_60 = arith.mulf %dot_general3A_36, %get3A_59 : vector<256x256xf32>
    %add3A_61 = arith.addf %mul3A_56, %mul3A_60 : vector<256x256xf32>
    %convert_element_type3A_62 = arith.truncf %add3A_61 : vector<256x256xf32> to vector<256x256xbf16>
    %convert_element_type3A_63 = arith.truncf %dot_general3A_42 : vector<256x256xf32> to vector<256x256xbf16>
    %slice3A = vector.extract_strided_slice %convert_element_type3A_52 {offsets = [0, 0], sizes = [256, 64], strides = [1, 1]} : vector<256x768xbf16> to vector<256x64xbf16>
    %swap3A = arith.constant 0 : index
    %swap3A_64 = arith.constant 0 : index
    %swap3A_65 = arith.constant 0 : index
    %swap3A_66 = vector.load %arg12[%swap3A, %swap3A_64, %swap3A_65] : memref<12x256x64xbf16, #tpu.memory_space<vmem>>, vector<1x256x64xbf16>
    %swap3A_67 = vector.shape_cast %swap3A_66 : vector<1x256x64xbf16> to vector<256x64xbf16>
    %swap3A_68 = vector.shape_cast %slice3A : vector<256x64xbf16> to vector<1x256x64xbf16>
    tpu.vector_store %arg12[%swap3A, %swap3A_64, %swap3A_65], %swap3A_68 {strides = array<i32>} : memref<12x256x64xbf16, #tpu.memory_space<vmem>>, vector<1x256x64xbf16>,
    %slice3A_69 = vector.extract_strided_slice %convert_element_type3A_52 {offsets = [0, 64], sizes = [256, 64], strides = [1, 1]} : vector<256x768xbf16> to vector<256x64xbf16>
    %swap3A_70 = arith.constant 1 : index
    %swap3A_71 = arith.constant 0 : index
    %swap3A_72 = arith.constant 0 : index
    %swap3A_73 = vector.load %arg12[%swap3A_70, %swap3A_71, %swap3A_72] : memref<12x256x64xbf16, #tpu.memory_space<vmem>>, vector<1x256x64xbf16>
    %swap3A_74 = vector.shape_cast %swap3A_73 : vector<1x256x64xbf16> to vector<256x64xbf16>
    %swap3A_75 = vector.shape_cast %slice3A_69 : vector<256x64xbf16> to vector<1x256x64xbf16>
    tpu.vector_store %arg12[%swap3A_70, %swap3A_71, %swap3A_72], %swap3A_75 {strides = array<i32>} : memref<12x256x64xbf16, #tpu.memory_space<vmem>>, vector<1x256x64xbf16>,
    %slice3A_76 = vector.extract_strided_slice %convert_element_type3A_52 {offsets = [0, 128], sizes = [256, 64], strides = [1, 1]} : vector<256x768xbf16> to vector<256x64xbf16>
    %swap3A_77 = arith.constant 2 : index
    %swap3A_78 = arith.constant 0 : index
    %swap3A_79 = arith.constant 0 : index
    %swap3A_80 = vector.load %arg12[%swap3A_77, %swap3A_78, %swap3A_79] : memref<12x256x64xbf16, #tpu.memory_space<vmem>>, vector<1x256x64xbf16>
    %swap3A_81 = vector.shape_cast %swap3A_80 : vector<1x256x64xbf16> to vector<256x64xbf16>
    %swap3A_82 = vector.shape_cast %slice3A_76 : vector<256x64xbf16> to vector<1x256x64xbf16>
    tpu.vector_store %arg12[%swap3A_77, %swap3A_78, %swap3A_79], %swap3A_82 {strides = array<i32>} : memref<12x256x64xbf16, #tpu.memory_space<vmem>>, vector<1x256x64xbf16>,
    %slice3A_83 = vector.extract_strided_slice %convert_element_type3A_52 {offsets = [0, 192], sizes = [256, 64], strides = [1, 1]} : vector<256x768xbf16> to vector<256x64xbf16>
    %swap3A_84 = arith.constant 3 : index
    %swap3A_85 = arith.constant 0 : index
    %swap3A_86 = arith.constant 0 : index
    %swap3A_87 = vector.load %arg12[%swap3A_84, %swap3A_85, %swap3A_86] : memref<12x256x64xbf16, #tpu.memory_space<vmem>>, vector<1x256x64xbf16>
    %swap3A_88 = vector.shape_cast %swap3A_87 : vector<1x256x64xbf16> to vector<256x64xbf16>
    %swap3A_89 = vector.shape_cast %slice3A_83 : vector<256x64xbf16> to vector<1x256x64xbf16>
    tpu.vector_store %arg12[%swap3A_84, %swap3A_85, %swap3A_86], %swap3A_89 {strides = array<i32>} : memref<12x256x64xbf16, #tpu.memory_space<vmem>>, vector<1x256x64xbf16>,
    %slice3A_90 = vector.extract_strided_slice %convert_element_type3A_52 {offsets = [0, 256], sizes = [256, 64], strides = [1, 1]} : vector<256x768xbf16> to vector<256x64xbf16>
    %swap3A_91 = arith.constant 4 : index
    %swap3A_92 = arith.constant 0 : index
    %swap3A_93 = arith.constant 0 : index
    %swap3A_94 = vector.load %arg12[%swap3A_91, %swap3A_92, %swap3A_93] : memref<12x256x64xbf16, #tpu.memory_space<vmem>>, vector<1x256x64xbf16>
    %swap3A_95 = vector.shape_cast %swap3A_94 : vector<1x256x64xbf16> to vector<256x64xbf16>
    %swap3A_96 = vector.shape_cast %slice3A_90 : vector<256x64xbf16> to vector<1x256x64xbf16>
    tpu.vector_store %arg12[%swap3A_91, %swap3A_92, %swap3A_93], %swap3A_96 {strides = array<i32>} : memref<12x256x64xbf16, #tpu.memory_space<vmem>>, vector<1x256x64xbf16>,
    %slice3A_97 = vector.extract_strided_slice %convert_element_type3A_52 {offsets = [0, 320], sizes = [256, 64], strides = [1, 1]} : vector<256x768xbf16> to vector<256x64xbf16>
    %swap3A_98 = arith.constant 5 : index
    %swap3A_99 = arith.constant 0 : index
    %swap3A_100 = arith.constant 0 : index
    %swap3A_101 = vector.load %arg12[%swap3A_98, %swap3A_99, %swap3A_100] : memref<12x256x64xbf16, #tpu.memory_space<vmem>>, vector<1x256x64xbf16>
    %swap3A_102 = vector.shape_cast %swap3A_101 : vector<1x256x64xbf16> to vector<256x64xbf16>
    %swap3A_103 = vector.shape_cast %slice3A_97 : vector<256x64xbf16> to vector<1x256x64xbf16>
    tpu.vector_store %arg12[%swap3A_98, %swap3A_99, %swap3A_100], %swap3A_103 {strides = array<i32>} : memref<12x256x64xbf16, #tpu.memory_space<vmem>>, vector<1x256x64xbf16>,
    %slice3A_104 = vector.extract_strided_slice %convert_element_type3A_52 {offsets = [0, 384], sizes = [256, 64], strides = [1, 1]} : vector<256x768xbf16> to vector<256x64xbf16>
    %swap3A_105 = arith.constant 6 : index
    %swap3A_106 = arith.constant 0 : index
    %swap3A_107 = arith.constant 0 : index
    %swap3A_108 = vector.load %arg12[%swap3A_105, %swap3A_106, %swap3A_107] : memref<12x256x64xbf16, #tpu.memory_space<vmem>>, vector<1x256x64xbf16>
    %swap3A_109 = vector.shape_cast %swap3A_108 : vector<1x256x64xbf16> to vector<256x64xbf16>
    %swap3A_110 = vector.shape_cast %slice3A_104 : vector<256x64xbf16> to vector<1x256x64xbf16>
    tpu.vector_store %arg12[%swap3A_105, %swap3A_106, %swap3A_107], %swap3A_110 {strides = array<i32>} : memref<12x256x64xbf16, #tpu.memory_space<vmem>>, vector<1x256x64xbf16>,
    %slice3A_111 = vector.extract_strided_slice %convert_element_type3A_52 {offsets = [0, 448], sizes = [256, 64], strides = [1, 1]} : vector<256x768xbf16> to vector<256x64xbf16>
    %swap3A_112 = arith.constant 7 : index
    %swap3A_113 = arith.constant 0 : index
    %swap3A_114 = arith.constant 0 : index
    %swap3A_115 = vector.load %arg12[%swap3A_112, %swap3A_113, %swap3A_114] : memref<12x256x64xbf16, #tpu.memory_space<vmem>>, vector<1x256x64xbf16>
    %swap3A_116 = vector.shape_cast %swap3A_115 : vector<1x256x64xbf16> to vector<256x64xbf16>
    %swap3A_117 = vector.shape_cast %slice3A_111 : vector<256x64xbf16> to vector<1x256x64xbf16>
    tpu.vector_store %arg12[%swap3A_112, %swap3A_113, %swap3A_114], %swap3A_117 {strides = array<i32>} : memref<12x256x64xbf16, #tpu.memory_space<vmem>>, vector<1x256x64xbf16>,
    %slice3A_118 = vector.extract_strided_slice %convert_element_type3A_52 {offsets = [0, 512], sizes = [256, 64], strides = [1, 1]} : vector<256x768xbf16> to vector<256x64xbf16>
    %swap3A_119 = arith.constant 8 : index
    %swap3A_120 = arith.constant 0 : index
    %swap3A_121 = arith.constant 0 : index
    %swap3A_122 = vector.load %arg12[%swap3A_119, %swap3A_120, %swap3A_121] : memref<12x256x64xbf16, #tpu.memory_space<vmem>>, vector<1x256x64xbf16>
    %swap3A_123 = vector.shape_cast %swap3A_122 : vector<1x256x64xbf16> to vector<256x64xbf16>
    %swap3A_124 = vector.shape_cast %slice3A_118 : vector<256x64xbf16> to vector<1x256x64xbf16>
    tpu.vector_store %arg12[%swap3A_119, %swap3A_120, %swap3A_121], %swap3A_124 {strides = array<i32>} : memref<12x256x64xbf16, #tpu.memory_space<vmem>>, vector<1x256x64xbf16>,
    %slice3A_125 = vector.extract_strided_slice %convert_element_type3A_52 {offsets = [0, 576], sizes = [256, 64], strides = [1, 1]} : vector<256x768xbf16> to vector<256x64xbf16>
    %swap3A_126 = arith.constant 9 : index
    %swap3A_127 = arith.constant 0 : index
    %swap3A_128 = arith.constant 0 : index
    %swap3A_129 = vector.load %arg12[%swap3A_126, %swap3A_127, %swap3A_128] : memref<12x256x64xbf16, #tpu.memory_space<vmem>>, vector<1x256x64xbf16>
    %swap3A_130 = vector.shape_cast %swap3A_129 : vector<1x256x64xbf16> to vector<256x64xbf16>
    %swap3A_131 = vector.shape_cast %slice3A_125 : vector<256x64xbf16> to vector<1x256x64xbf16>
    tpu.vector_store %arg12[%swap3A_126, %swap3A_127, %swap3A_128], %swap3A_131 {strides = array<i32>} : memref<12x256x64xbf16, #tpu.memory_space<vmem>>, vector<1x256x64xbf16>,
    %slice3A_132 = vector.extract_strided_slice %convert_element_type3A_52 {offsets = [0, 640], sizes = [256, 64], strides = [1, 1]} : vector<256x768xbf16> to vector<256x64xbf16>
    %swap3A_133 = arith.constant 10 : index
    %swap3A_134 = arith.constant 0 : index
    %swap3A_135 = arith.constant 0 : index
    %swap3A_136 = vector.load %arg12[%swap3A_133, %swap3A_134, %swap3A_135] : memref<12x256x64xbf16, #tpu.memory_space<vmem>>, vector<1x256x64xbf16>
    %swap3A_137 = vector.shape_cast %swap3A_136 : vector<1x256x64xbf16> to vector<256x64xbf16>
    %swap3A_138 = vector.shape_cast %slice3A_132 : vector<256x64xbf16> to vector<1x256x64xbf16>
    tpu.vector_store %arg12[%swap3A_133, %swap3A_134, %swap3A_135], %swap3A_138 {strides = array<i32>} : memref<12x256x64xbf16, #tpu.memory_space<vmem>>, vector<1x256x64xbf16>,
    %slice3A_139 = vector.extract_strided_slice %convert_element_type3A_52 {offsets = [0, 704], sizes = [256, 64], strides = [1, 1]} : vector<256x768xbf16> to vector<256x64xbf16>
    %swap3A_140 = arith.constant 11 : index
    %swap3A_141 = arith.constant 0 : index
    %swap3A_142 = arith.constant 0 : index
    %swap3A_143 = vector.load %arg12[%swap3A_140, %swap3A_141, %swap3A_142] : memref<12x256x64xbf16, #tpu.memory_space<vmem>>, vector<1x256x64xbf16>
    %swap3A_144 = vector.shape_cast %swap3A_143 : vector<1x256x64xbf16> to vector<256x64xbf16>
    %swap3A_145 = vector.shape_cast %slice3A_139 : vector<256x64xbf16> to vector<1x256x64xbf16>
    tpu.vector_store %arg12[%swap3A_140, %swap3A_141, %swap3A_142], %swap3A_145 {strides = array<i32>} : memref<12x256x64xbf16, #tpu.memory_space<vmem>>, vector<1x256x64xbf16>,
    %slice3A_146 = vector.extract_strided_slice %convert_element_type3A_62 {offsets = [0, 0], sizes = [256, 64], strides = [1, 1]} : vector<256x256xbf16> to vector<256x64xbf16>
    %swap3A_147 = arith.constant 0 : index
    %swap3A_148 = arith.constant 0 : index
    %swap3A_149 = arith.constant 0 : index
    %swap3A_150 = vector.load %arg13[%swap3A_147, %swap3A_148, %swap3A_149] : memref<4x256x64xbf16, #tpu.memory_space<vmem>>, vector<1x256x64xbf16>
    %swap3A_151 = vector.shape_cast %swap3A_150 : vector<1x256x64xbf16> to vector<256x64xbf16>
    %swap3A_152 = vector.shape_cast %slice3A_146 : vector<256x64xbf16> to vector<1x256x64xbf16>
    tpu.vector_store %arg13[%swap3A_147, %swap3A_148, %swap3A_149], %swap3A_152 {strides = array<i32>} : memref<4x256x64xbf16, #tpu.memory_space<vmem>>, vector<1x256x64xbf16>,
    %slice3A_153 = vector.extract_strided_slice %convert_element_type3A_63 {offsets = [0, 0], sizes = [256, 64], strides = [1, 1]} : vector<256x256xbf16> to vector<256x64xbf16>
    %swap3A_154 = arith.constant 0 : index
    %swap3A_155 = arith.constant 0 : index
    %swap3A_156 = arith.constant 0 : index
    %swap3A_157 = vector.load %arg14[%swap3A_154, %swap3A_155, %swap3A_156] : memref<4x256x64xbf16, #tpu.memory_space<vmem>>, vector<1x256x64xbf16>
    %swap3A_158 = vector.shape_cast %swap3A_157 : vector<1x256x64xbf16> to vector<256x64xbf16>
    %swap3A_159 = vector.shape_cast %slice3A_153 : vector<256x64xbf16> to vector<1x256x64xbf16>
    tpu.vector_store %arg14[%swap3A_154, %swap3A_155, %swap3A_156], %swap3A_159 {strides = array<i32>} : memref<4x256x64xbf16, #tpu.memory_space<vmem>>, vector<1x256x64xbf16>,
    %slice3A_160 = vector.extract_strided_slice %convert_element_type3A_62 {offsets = [0, 64], sizes = [256, 64], strides = [1, 1]} : vector<256x256xbf16> to vector<256x64xbf16>
    %swap3A_161 = arith.constant 1 : index
    %swap3A_162 = arith.constant 0 : index
    %swap3A_163 = arith.constant 0 : index
    %swap3A_164 = vector.load %arg13[%swap3A_161, %swap3A_162, %swap3A_163] : memref<4x256x64xbf16, #tpu.memory_space<vmem>>, vector<1x256x64xbf16>
    %swap3A_165 = vector.shape_cast %swap3A_164 : vector<1x256x64xbf16> to vector<256x64xbf16>
    %swap3A_166 = vector.shape_cast %slice3A_160 : vector<256x64xbf16> to vector<1x256x64xbf16>
    tpu.vector_store %arg13[%swap3A_161, %swap3A_162, %swap3A_163], %swap3A_166 {strides = array<i32>} : memref<4x256x64xbf16, #tpu.memory_space<vmem>>, vector<1x256x64xbf16>,
    %slice3A_167 = vector.extract_strided_slice %convert_element_type3A_63 {offsets = [0, 64], sizes = [256, 64], strides = [1, 1]} : vector<256x256xbf16> to vector<256x64xbf16>
    %swap3A_168 = arith.constant 1 : index
    %swap3A_169 = arith.constant 0 : index
    %swap3A_170 = arith.constant 0 : index
    %swap3A_171 = vector.load %arg14[%swap3A_168, %swap3A_169, %swap3A_170] : memref<4x256x64xbf16, #tpu.memory_space<vmem>>, vector<1x256x64xbf16>
    %swap3A_172 = vector.shape_cast %swap3A_171 : vector<1x256x64xbf16> to vector<256x64xbf16>
    %swap3A_173 = vector.shape_cast %slice3A_167 : vector<256x64xbf16> to vector<1x256x64xbf16>
    tpu.vector_store %arg14[%swap3A_168, %swap3A_169, %swap3A_170], %swap3A_173 {strides = array<i32>} : memref<4x256x64xbf16, #tpu.memory_space<vmem>>, vector<1x256x64xbf16>,
    %slice3A_174 = vector.extract_strided_slice %convert_element_type3A_62 {offsets = [0, 128], sizes = [256, 64], strides = [1, 1]} : vector<256x256xbf16> to vector<256x64xbf16>
    %swap3A_175 = arith.constant 2 : index
    %swap3A_176 = arith.constant 0 : index
    %swap3A_177 = arith.constant 0 : index
    %swap3A_178 = vector.load %arg13[%swap3A_175, %swap3A_176, %swap3A_177] : memref<4x256x64xbf16, #tpu.memory_space<vmem>>, vector<1x256x64xbf16>
    %swap3A_179 = vector.shape_cast %swap3A_178 : vector<1x256x64xbf16> to vector<256x64xbf16>
    %swap3A_180 = vector.shape_cast %slice3A_174 : vector<256x64xbf16> to vector<1x256x64xbf16>
    tpu.vector_store %arg13[%swap3A_175, %swap3A_176, %swap3A_177], %swap3A_180 {strides = array<i32>} : memref<4x256x64xbf16, #tpu.memory_space<vmem>>, vector<1x256x64xbf16>,
    %slice3A_181 = vector.extract_strided_slice %convert_element_type3A_63 {offsets = [0, 128], sizes = [256, 64], strides = [1, 1]} : vector<256x256xbf16> to vector<256x64xbf16>
    %swap3A_182 = arith.constant 2 : index
    %swap3A_183 = arith.constant 0 : index
    %swap3A_184 = arith.constant 0 : index
    %swap3A_185 = vector.load %arg14[%swap3A_182, %swap3A_183, %swap3A_184] : memref<4x256x64xbf16, #tpu.memory_space<vmem>>, vector<1x256x64xbf16>
    %swap3A_186 = vector.shape_cast %swap3A_185 : vector<1x256x64xbf16> to vector<256x64xbf16>
    %swap3A_187 = vector.shape_cast %slice3A_181 : vector<256x64xbf16> to vector<1x256x64xbf16>
    tpu.vector_store %arg14[%swap3A_182, %swap3A_183, %swap3A_184], %swap3A_187 {strides = array<i32>} : memref<4x256x64xbf16, #tpu.memory_space<vmem>>, vector<1x256x64xbf16>,
    %slice3A_188 = vector.extract_strided_slice %convert_element_type3A_62 {offsets = [0, 192], sizes = [256, 64], strides = [1, 1]} : vector<256x256xbf16> to vector<256x64xbf16>
    %swap3A_189 = arith.constant 3 : index
    %swap3A_190 = arith.constant 0 : index
    %swap3A_191 = arith.constant 0 : index
    %swap3A_192 = vector.load %arg13[%swap3A_189, %swap3A_190, %swap3A_191] : memref<4x256x64xbf16, #tpu.memory_space<vmem>>, vector<1x256x64xbf16>
    %swap3A_193 = vector.shape_cast %swap3A_192 : vector<1x256x64xbf16> to vector<256x64xbf16>
    %swap3A_194 = vector.shape_cast %slice3A_188 : vector<256x64xbf16> to vector<1x256x64xbf16>
    tpu.vector_store %arg13[%swap3A_189, %swap3A_190, %swap3A_191], %swap3A_194 {strides = array<i32>} : memref<4x256x64xbf16, #tpu.memory_space<vmem>>, vector<1x256x64xbf16>,
    %slice3A_195 = vector.extract_strided_slice %convert_element_type3A_63 {offsets = [0, 192], sizes = [256, 64], strides = [1, 1]} : vector<256x256xbf16> to vector<256x64xbf16>
    %swap3A_196 = arith.constant 3 : index
    %swap3A_197 = arith.constant 0 : index
    %swap3A_198 = arith.constant 0 : index
    %swap3A_199 = vector.load %arg14[%swap3A_196, %swap3A_197, %swap3A_198] : memref<4x256x64xbf16, #tpu.memory_space<vmem>>, vector<1x256x64xbf16>
    %swap3A_200 = vector.shape_cast %swap3A_199 : vector<1x256x64xbf16> to vector<256x64xbf16>
    %swap3A_201 = vector.shape_cast %slice3A_195 : vector<256x64xbf16> to vector<1x256x64xbf16>
    tpu.vector_store %arg14[%swap3A_196, %swap3A_197, %swap3A_198], %swap3A_201 {strides = array<i32>} : memref<4x256x64xbf16, #tpu.memory_space<vmem>>, vector<1x256x64xbf16>,
    return
  }
  func.func @transform_0(%arg0: i32) -> (i32, i32) {
    %c0_i32 = arith.constant 0 : i32
    %c0_i32_0 = arith.constant 0 : i32
    return %arg0, %c0_i32 : i32, i32
  }
  func.func @transform_1(%arg0: i32) -> (i32, i32) {
    %c0_i32 = arith.constant 0 : i32
    %c0_i32_0 = arith.constant 0 : i32
    %c0_i32_1 = arith.constant 0 : i32
    return %c0_i32, %c0_i32_0 : i32, i32
  }
  func.func @transform_2(%arg0: i32) -> (i32, i32) {
    %c0_i32 = arith.constant 0 : i32
    %c0_i32_0 = arith.constant 0 : i32
    %c0_i32_1 = arith.constant 0 : i32
    return %c0_i32, %c0_i32_0 : i32, i32
  }
  func.func @transform_3(%arg0: i32) -> (i32, i32) {
    %c0_i32 = arith.constant 0 : i32
    %c0_i32_0 = arith.constant 0 : i32
    %c0_i32_1 = arith.constant 0 : i32
    return %c0_i32, %c0_i32_0 : i32, i32
  }
  func.func @transform_4(%arg0: i32) -> (i32, i32) {
    %c0_i32 = arith.constant 0 : i32
    %c0_i32_0 = arith.constant 0 : i32
    %c0_i32_1 = arith.constant 0 : i32
    return %c0_i32, %c0_i32_0 : i32, i32
  }
  func.func @transform_5(%arg0: i32) -> (i32, i32) {
    %c0_i32 = arith.constant 0 : i32
    %c0_i32_0 = arith.constant 0 : i32
    %c0_i32_1 = arith.constant 0 : i32
    return %c0_i32, %c0_i32_0 : i32, i32
  }
  func.func @transform_6(%arg0: i32) -> (i32, i32) {
    %c0_i32 = arith.constant 0 : i32
    %c0_i32_0 = arith.constant 0 : i32
    %c0_i32_1 = arith.constant 0 : i32
    return %c0_i32, %c0_i32_0 : i32, i32
  }
  func.func @transform_7(%arg0: i32) -> (i32, i32) {
    %c0_i32 = arith.constant 0 : i32
    %c0_i32_0 = arith.constant 0 : i32
    return %arg0, %c0_i32 : i32, i32
  }
  func.func @transform_8(%arg0: i32) -> (i32, i32) {
    %c0_i32 = arith.constant 0 : i32
    %c0_i32_0 = arith.constant 0 : i32
    return %arg0, %c0_i32 : i32, i32
  }
  func.func @transform_9(%arg0: i32) -> (i32, i32) {
    %c0_i32 = arith.constant 0 : i32
    %c0_i32_0 = arith.constant 0 : i32
    return %arg0, %c0_i32 : i32, i32
  }
  func.func @transform_10(%arg0: i32) -> (i32, i32) {
    %c0_i32 = arith.constant 0 : i32
    %c0_i32_0 = arith.constant 0 : i32
    return %arg0, %c0_i32 : i32, i32
  }
  func.func @transform_11(%arg0: i32) -> (i32, i32, i32) {
    %c0_i32 = arith.constant 0 : i32
    %c0_i32_0 = arith.constant 0 : i32
    %c0_i32_1 = arith.constant 0 : i32
    return %c0_i32, %arg0, %c0_i32_0 : i32, i32, i32
  }
  func.func @transform_12(%arg0: i32) -> (i32, i32, i32) {
    %c0_i32 = arith.constant 0 : i32
    %c0_i32_0 = arith.constant 0 : i32
    %c0_i32_1 = arith.constant 0 : i32
    return %c0_i32, %arg0, %c0_i32_0 : i32, i32, i32
  }
  func.func @transform_13(%arg0: i32) -> (i32, i32, i32) {
    %c0_i32 = arith.constant 0 : i32
    %c0_i32_0 = arith.constant 0 : i32
    %c0_i32_1 = arith.constant 0 : i32
    return %c0_i32, %arg0, %c0_i32_0 : i32, i32, i32
  }
}

module attributes {stable_mosaic.version = 14 : i64} {
  func.func @_attn_body(%arg0: i32, %arg1: i32, %arg2: memref<1x256x64xbf16, #tpu.memory_space<vmem>>, %arg3: memref<1x2048x64xbf16, #tpu.memory_space<vmem>>, %arg4: memref<1x2048x64xbf16, #tpu.memory_space<vmem>>, %arg5: memref<1x256x64xf32, #tpu.memory_space<vmem>>) attributes {dimension_semantics = [#tpu.dimension_semantics<arbitrary>, #tpu.dimension_semantics<arbitrary>], iteration_bounds = array<i64: 12, 8>, scalar_prefetch = 0 : i64, scratch_operands = 0 : i64, tpu.core_type = #tpu.core_type<tc>, window_params = [{transform_indices = @transform_0, window_bounds = array<i64: 1, 256, 64>}, {transform_indices = @transform_1, window_bounds = array<i64: 1, 2048, 64>}, {transform_indices = @transform_2, window_bounds = array<i64: 1, 2048, 64>}, {transform_indices = @transform_3, window_bounds = array<i64: 1, 256, 64>}]} {
    %get3A = arith.constant 0 : index
    %get3A_0 = arith.constant 0 : index
    %get3A_1 = arith.constant 0 : index
    %get3A_2 = vector.load %arg2[%get3A, %get3A_0, %get3A_1] : memref<1x256x64xbf16, #tpu.memory_space<vmem>>, vector<1x256x64xbf16>
    %get3A_3 = vector.shape_cast %get3A_2 : vector<1x256x64xbf16> to vector<256x64xbf16>
    %get3A_4 = arith.constant 0 : index
    %get3A_5 = arith.constant 0 : index
    %get3A_6 = arith.constant 0 : index
    %get3A_7 = vector.load %arg3[%get3A_4, %get3A_5, %get3A_6] : memref<1x2048x64xbf16, #tpu.memory_space<vmem>>, vector<1x2048x64xbf16>
    %get3A_8 = vector.shape_cast %get3A_7 : vector<1x2048x64xbf16> to vector<2048x64xbf16>
    %dot_general3A = arith.constant dense<0.000000e+00> : vector<256x2048xf32>
    %dot_general3A_9 = tpu.matmul %get3A_3, %get3A_8, %dot_general3A {dimension_numbers = #tpu.dot_dimension_numbers<[1], [1], [0], [0], [0, 0, 1, 0], [], []>, transpose_lhs_hint = false} : vector<256x64xbf16>, vector<2048x64xbf16>, vector<256x2048xf32> -> vector<256x2048xf32>
    %iota3A = tpu.iota {dimensions = array<i32: 0>} : vector<256x2048xi32>
    %mul3A = arith.constant 256 : i32
    %mul3A_10 = arith.muli %arg1, %mul3A : i32
    %add3A = vector.broadcast %mul3A_10 : i32 to vector<256x2048xi32>
    %add3A_11 = arith.addi %iota3A, %add3A : vector<256x2048xi32>
    %iota3A_12 = tpu.iota {dimensions = array<i32: 1>} : vector<256x2048xi32>
    %le3A = arith.cmpi sle, %iota3A_12, %add3A_11 : vector<256x2048xi32>
    %jit3A = arith.constant -1.000000e+09 : f32
    %broadcast_in_dim3A = vector.broadcast %jit3A : f32 to vector<256x2048xf32>
    %select_n3A = arith.select %le3A, %dot_general3A_9, %broadcast_in_dim3A : vector<256x2048xi1>, vector<256x2048xf32>
    %reduce_max3A = arith.constant dense<0xFF800000> : vector<256xf32>
    %reduce_max3A_13 = vector.multi_reduction <maximumf>, %select_n3A, %reduce_max3A [1] : vector<256x2048xf32> to vector<256xf32>
    %broadcast_in_dim3A_14 = vector.shape_cast %reduce_max3A_13 : vector<256xf32> to vector<256x1xf32>
    %sub3A = vector.broadcast %broadcast_in_dim3A_14 : vector<256x1xf32> to vector<256x2048xf32>
    %sub3A_15 = arith.subf %select_n3A, %sub3A : vector<256x2048xf32>
    %exp3A = math.exp %sub3A_15 : vector<256x2048xf32>
    %reduce_sum3A = arith.constant dense<0.000000e+00> : vector<256xf32>
    %reduce_sum3A_16 = vector.multi_reduction <add>, %exp3A, %reduce_sum3A [1] : vector<256x2048xf32> to vector<256xf32>
    %broadcast_in_dim3A_17 = vector.shape_cast %reduce_sum3A_16 : vector<256xf32> to vector<256x1xf32>
    %convert_element_type3A = arith.truncf %exp3A : vector<256x2048xf32> to vector<256x2048xbf16>
    %get3A_18 = arith.constant 0 : index
    %get3A_19 = arith.constant 0 : index
    %get3A_20 = arith.constant 0 : index
    %get3A_21 = vector.load %arg4[%get3A_18, %get3A_19, %get3A_20] : memref<1x2048x64xbf16, #tpu.memory_space<vmem>>, vector<1x2048x64xbf16>
    %get3A_22 = vector.shape_cast %get3A_21 : vector<1x2048x64xbf16> to vector<2048x64xbf16>
    %dot_general3A_23 = arith.constant dense<0.000000e+00> : vector<256x64xf32>
    %dot_general3A_24 = tpu.matmul %convert_element_type3A, %get3A_22, %dot_general3A_23 {dimension_numbers = #tpu.dot_dimension_numbers<[1], [0], [0], [1], [0, 0, 1, 1], [], []>, transpose_lhs_hint = false} : vector<256x2048xbf16>, vector<2048x64xbf16>, vector<256x64xf32> -> vector<256x64xf32>
    %div3A = vector.broadcast %broadcast_in_dim3A_17 : vector<256x1xf32> to vector<256x64xf32>
    %div3A_25 = arith.divf %dot_general3A_24, %div3A : vector<256x64xf32>
    %swap3A = arith.constant 0 : index
    %swap3A_26 = arith.constant 0 : index
    %swap3A_27 = arith.constant 0 : index
    %swap3A_28 = vector.load %arg5[%swap3A, %swap3A_26, %swap3A_27] : memref<1x256x64xf32, #tpu.memory_space<vmem>>, vector<1x256x64xf32>
    %swap3A_29 = vector.shape_cast %swap3A_28 : vector<1x256x64xf32> to vector<256x64xf32>
    %swap3A_30 = vector.shape_cast %div3A_25 : vector<256x64xf32> to vector<1x256x64xf32>
    tpu.vector_store %arg5[%swap3A, %swap3A_26, %swap3A_27], %swap3A_30 {strides = array<i32>} : memref<1x256x64xf32, #tpu.memory_space<vmem>>, vector<1x256x64xf32>,
    return
  }
  func.func @transform_0(%arg0: i32, %arg1: i32) -> (i32, i32, i32) {
    %c0_i32 = arith.constant 0 : i32
    %c0_i32_0 = arith.constant 0 : i32
    return %arg0, %arg1, %c0_i32 : i32, i32, i32
  }
  func.func @transform_1(%arg0: i32, %arg1: i32) -> (i32, i32, i32) {
    %jit3A = arith.constant 3 : i32
    %div3A = arith.divsi %arg0, %jit3A : i32
    %sign3A = arith.constant 0 : i32
    %sign3A_0 = arith.cmpi sgt, %arg0, %sign3A : i32
    %sign3A_1 = arith.extui %sign3A_0 : i1 to i32
    %sign3A_2 = arith.constant 0 : i32
    %sign3A_3 = arith.cmpi slt, %arg0, %sign3A_2 : i32
    %sign3A_4 = arith.extui %sign3A_3 : i1 to i32
    %sign3A_5 = arith.subi %sign3A_1, %sign3A_4 : i32
    %sign3A_6 = arith.constant 0 : i32
    %sign3A_7 = arith.cmpi sgt, %jit3A, %sign3A_6 : i32
    %sign3A_8 = arith.extui %sign3A_7 : i1 to i32
    %sign3A_9 = arith.constant 0 : i32
    %sign3A_10 = arith.cmpi slt, %jit3A, %sign3A_9 : i32
    %sign3A_11 = arith.extui %sign3A_10 : i1 to i32
    %sign3A_12 = arith.subi %sign3A_8, %sign3A_11 : i32
    %ne3A = arith.cmpi ne, %sign3A_5, %sign3A_12 : i32
    %rem3A = arith.remsi %arg0, %jit3A : i32
    %ne3A_13 = arith.constant 0 : i32
    %ne3A_14 = arith.cmpi ne, %rem3A, %ne3A_13 : i32
    %and3A = arith.andi %ne3A, %ne3A_14 : i1
    %sub3A = arith.constant 1 : i32
    %sub3A_15 = arith.subi %div3A, %sub3A : i32
    %select_n3A = arith.select %and3A, %sub3A_15, %div3A : i32
    %c0_i32 = arith.constant 0 : i32
    %c0_i32_16 = arith.constant 0 : i32
    %c0_i32_17 = arith.constant 0 : i32
    return %select_n3A, %c0_i32, %c0_i32_16 : i32, i32, i32
  }
  func.func @transform_2(%arg0: i32, %arg1: i32) -> (i32, i32, i32) {
    %jit3A = arith.constant 3 : i32
    %div3A = arith.divsi %arg0, %jit3A : i32
    %sign3A = arith.constant 0 : i32
    %sign3A_0 = arith.cmpi sgt, %arg0, %sign3A : i32
    %sign3A_1 = arith.extui %sign3A_0 : i1 to i32
    %sign3A_2 = arith.constant 0 : i32
    %sign3A_3 = arith.cmpi slt, %arg0, %sign3A_2 : i32
    %sign3A_4 = arith.extui %sign3A_3 : i1 to i32
    %sign3A_5 = arith.subi %sign3A_1, %sign3A_4 : i32
    %sign3A_6 = arith.constant 0 : i32
    %sign3A_7 = arith.cmpi sgt, %jit3A, %sign3A_6 : i32
    %sign3A_8 = arith.extui %sign3A_7 : i1 to i32
    %sign3A_9 = arith.constant 0 : i32
    %sign3A_10 = arith.cmpi slt, %jit3A, %sign3A_9 : i32
    %sign3A_11 = arith.extui %sign3A_10 : i1 to i32
    %sign3A_12 = arith.subi %sign3A_8, %sign3A_11 : i32
    %ne3A = arith.cmpi ne, %sign3A_5, %sign3A_12 : i32
    %rem3A = arith.remsi %arg0, %jit3A : i32
    %ne3A_13 = arith.constant 0 : i32
    %ne3A_14 = arith.cmpi ne, %rem3A, %ne3A_13 : i32
    %and3A = arith.andi %ne3A, %ne3A_14 : i1
    %sub3A = arith.constant 1 : i32
    %sub3A_15 = arith.subi %div3A, %sub3A : i32
    %select_n3A = arith.select %and3A, %sub3A_15, %div3A : i32
    %c0_i32 = arith.constant 0 : i32
    %c0_i32_16 = arith.constant 0 : i32
    %c0_i32_17 = arith.constant 0 : i32
    return %select_n3A, %c0_i32, %c0_i32_16 : i32, i32, i32
  }
  func.func @transform_3(%arg0: i32, %arg1: i32) -> (i32, i32, i32) {
    %c0_i32 = arith.constant 0 : i32
    %c0_i32_0 = arith.constant 0 : i32
    return %arg0, %arg1, %c0_i32 : i32, i32, i32
  }
}

module attributes {stable_mosaic.version = 14 : i64} {
  func.func @_router_body(%arg0: memref<2048x768xf32, #tpu.memory_space<vmem>>, %arg1: memref<12x2048x64xf32, #tpu.memory_space<vmem>>, %arg2: memref<768x768xf32, #tpu.memory_space<vmem>>, %arg3: memref<1x768xf32, #tpu.memory_space<vmem>>, %arg4: memref<768x8xf32, #tpu.memory_space<vmem>>, %arg5: memref<2048x768xf32, #tpu.memory_space<vmem>>, %arg6: memref<2048x768xf32, #tpu.memory_space<vmem>>, %arg7: memref<2048x8xi32, #tpu.memory_space<vmem>>, %arg8: memref<2048x8xf32, #tpu.memory_space<vmem>>, %arg9: memref<32x8xi32, #tpu.memory_space<vmem>>) attributes {dimension_semantics = [], scalar_prefetch = 0 : i64, scratch_operands = 0 : i64, tpu.core_type = #tpu.core_type<tc>} {
    %get3A = arith.constant 0 : index
    %get3A_0 = arith.constant 0 : index
    %get3A_1 = arith.constant 0 : index
    %get3A_2 = vector.load %arg1[%get3A, %get3A_0, %get3A_1] : memref<12x2048x64xf32, #tpu.memory_space<vmem>>, vector<1x2048x64xf32>
    %get3A_3 = vector.shape_cast %get3A_2 : vector<1x2048x64xf32> to vector<2048x64xf32>
    %get3A_4 = arith.constant 1 : index
    %get3A_5 = arith.constant 0 : index
    %get3A_6 = arith.constant 0 : index
    %get3A_7 = vector.load %arg1[%get3A_4, %get3A_5, %get3A_6] : memref<12x2048x64xf32, #tpu.memory_space<vmem>>, vector<1x2048x64xf32>
    %get3A_8 = vector.shape_cast %get3A_7 : vector<1x2048x64xf32> to vector<2048x64xf32>
    %get3A_9 = arith.constant 2 : index
    %get3A_10 = arith.constant 0 : index
    %get3A_11 = arith.constant 0 : index
    %get3A_12 = vector.load %arg1[%get3A_9, %get3A_10, %get3A_11] : memref<12x2048x64xf32, #tpu.memory_space<vmem>>, vector<1x2048x64xf32>
    %get3A_13 = vector.shape_cast %get3A_12 : vector<1x2048x64xf32> to vector<2048x64xf32>
    %get3A_14 = arith.constant 3 : index
    %get3A_15 = arith.constant 0 : index
    %get3A_16 = arith.constant 0 : index
    %get3A_17 = vector.load %arg1[%get3A_14, %get3A_15, %get3A_16] : memref<12x2048x64xf32, #tpu.memory_space<vmem>>, vector<1x2048x64xf32>
    %get3A_18 = vector.shape_cast %get3A_17 : vector<1x2048x64xf32> to vector<2048x64xf32>
    %get3A_19 = arith.constant 4 : index
    %get3A_20 = arith.constant 0 : index
    %get3A_21 = arith.constant 0 : index
    %get3A_22 = vector.load %arg1[%get3A_19, %get3A_20, %get3A_21] : memref<12x2048x64xf32, #tpu.memory_space<vmem>>, vector<1x2048x64xf32>
    %get3A_23 = vector.shape_cast %get3A_22 : vector<1x2048x64xf32> to vector<2048x64xf32>
    %get3A_24 = arith.constant 5 : index
    %get3A_25 = arith.constant 0 : index
    %get3A_26 = arith.constant 0 : index
    %get3A_27 = vector.load %arg1[%get3A_24, %get3A_25, %get3A_26] : memref<12x2048x64xf32, #tpu.memory_space<vmem>>, vector<1x2048x64xf32>
    %get3A_28 = vector.shape_cast %get3A_27 : vector<1x2048x64xf32> to vector<2048x64xf32>
    %get3A_29 = arith.constant 6 : index
    %get3A_30 = arith.constant 0 : index
    %get3A_31 = arith.constant 0 : index
    %get3A_32 = vector.load %arg1[%get3A_29, %get3A_30, %get3A_31] : memref<12x2048x64xf32, #tpu.memory_space<vmem>>, vector<1x2048x64xf32>
    %get3A_33 = vector.shape_cast %get3A_32 : vector<1x2048x64xf32> to vector<2048x64xf32>
    %get3A_34 = arith.constant 7 : index
    %get3A_35 = arith.constant 0 : index
    %get3A_36 = arith.constant 0 : index
    %get3A_37 = vector.load %arg1[%get3A_34, %get3A_35, %get3A_36] : memref<12x2048x64xf32, #tpu.memory_space<vmem>>, vector<1x2048x64xf32>
    %get3A_38 = vector.shape_cast %get3A_37 : vector<1x2048x64xf32> to vector<2048x64xf32>
    %get3A_39 = arith.constant 8 : index
    %get3A_40 = arith.constant 0 : index
    %get3A_41 = arith.constant 0 : index
    %get3A_42 = vector.load %arg1[%get3A_39, %get3A_40, %get3A_41] : memref<12x2048x64xf32, #tpu.memory_space<vmem>>, vector<1x2048x64xf32>
    %get3A_43 = vector.shape_cast %get3A_42 : vector<1x2048x64xf32> to vector<2048x64xf32>
    %get3A_44 = arith.constant 9 : index
    %get3A_45 = arith.constant 0 : index
    %get3A_46 = arith.constant 0 : index
    %get3A_47 = vector.load %arg1[%get3A_44, %get3A_45, %get3A_46] : memref<12x2048x64xf32, #tpu.memory_space<vmem>>, vector<1x2048x64xf32>
    %get3A_48 = vector.shape_cast %get3A_47 : vector<1x2048x64xf32> to vector<2048x64xf32>
    %get3A_49 = arith.constant 10 : index
    %get3A_50 = arith.constant 0 : index
    %get3A_51 = arith.constant 0 : index
    %get3A_52 = vector.load %arg1[%get3A_49, %get3A_50, %get3A_51] : memref<12x2048x64xf32, #tpu.memory_space<vmem>>, vector<1x2048x64xf32>
    %get3A_53 = vector.shape_cast %get3A_52 : vector<1x2048x64xf32> to vector<2048x64xf32>
    %get3A_54 = arith.constant 11 : index
    %get3A_55 = arith.constant 0 : index
    %get3A_56 = arith.constant 0 : index
    %get3A_57 = vector.load %arg1[%get3A_54, %get3A_55, %get3A_56] : memref<12x2048x64xf32, #tpu.memory_space<vmem>>, vector<1x2048x64xf32>
    %get3A_58 = vector.shape_cast %get3A_57 : vector<1x2048x64xf32> to vector<2048x64xf32>
    %concatenate3A = tpu.concatenate %get3A_3, %get3A_8, %get3A_13, %get3A_18, %get3A_23, %get3A_28, %get3A_33, %get3A_38, %get3A_43, %get3A_48, %get3A_53, %get3A_58 in 1 : vector<2048x64xf32>, vector<2048x64xf32>, vector<2048x64xf32>, vector<2048x64xf32>, vector<2048x64xf32>, vector<2048x64xf32>, vector<2048x64xf32>, vector<2048x64xf32>, vector<2048x64xf32>, vector<2048x64xf32>, vector<2048x64xf32>, vector<2048x64xf32> -> vector<2048x768xf32>
    %get3A_59 = arith.constant 0 : index
    %get3A_60 = arith.constant 0 : index
    %get3A_61 = vector.load %arg0[%get3A_59, %get3A_60] : memref<2048x768xf32, #tpu.memory_space<vmem>>, vector<2048x768xf32>
    %get3A_62 = arith.constant 0 : index
    %get3A_63 = arith.constant 0 : index
    %get3A_64 = vector.load %arg2[%get3A_62, %get3A_63] : memref<768x768xf32, #tpu.memory_space<vmem>>, vector<768x768xf32>
    %dot_general3A = arith.constant dense<0.000000e+00> : vector<2048x768xf32>
    %dot_general3A_65 = tpu.matmul %concatenate3A, %get3A_64, %dot_general3A {dimension_numbers = #tpu.dot_dimension_numbers<[1], [0], [0], [1], [0, 0, 1, 1], [], []>, transpose_lhs_hint = false} : vector<2048x768xf32>, vector<768x768xf32>, vector<2048x768xf32> -> vector<2048x768xf32>
    %add3A = arith.addf %get3A_61, %dot_general3A_65 : vector<2048x768xf32>
    %swap3A = arith.constant 0 : index
    %swap3A_66 = arith.constant 0 : index
    %swap3A_67 = vector.load %arg5[%swap3A, %swap3A_66] : memref<2048x768xf32, #tpu.memory_space<vmem>>, vector<2048x768xf32>
    tpu.vector_store %arg5[%swap3A, %swap3A_66], %add3A {strides = array<i32>} : memref<2048x768xf32, #tpu.memory_space<vmem>>, vector<2048x768xf32>,
    %get3A_68 = arith.constant 0 : index
    %get3A_69 = arith.constant 0 : index
    %get3A_70 = vector.load %arg3[%get3A_68, %get3A_69] : memref<1x768xf32, #tpu.memory_space<vmem>>, vector<1x768xf32>
    %mul3A = arith.mulf %add3A, %add3A : vector<2048x768xf32>
    %reduce_sum3A = arith.constant dense<0.000000e+00> : vector<2048xf32>
    %reduce_sum3A_71 = vector.multi_reduction <add>, %mul3A, %reduce_sum3A [1] : vector<2048x768xf32> to vector<2048xf32>
    %broadcast_in_dim3A = vector.shape_cast %reduce_sum3A_71 : vector<2048xf32> to vector<2048x1xf32>
    %div3A = arith.constant 7.680000e+02 : f32
    %div3A_72 = vector.broadcast %div3A : f32 to vector<2048x1xf32>
    %div3A_73 = arith.divf %broadcast_in_dim3A, %div3A_72 : vector<2048x1xf32>
    %add3A_74 = arith.constant 9.99999997E-7 : f32
    %add3A_75 = vector.broadcast %add3A_74 : f32 to vector<2048x1xf32>
    %add3A_76 = arith.addf %div3A_73, %add3A_75 : vector<2048x1xf32>
    %rsqrt3A = math.rsqrt %add3A_76 : vector<2048x1xf32>
    %mul3A_77 = vector.broadcast %rsqrt3A : vector<2048x1xf32> to vector<2048x768xf32>
    %mul3A_78 = arith.mulf %add3A, %mul3A_77 : vector<2048x768xf32>
    %mul3A_79 = vector.broadcast %get3A_70 : vector<1x768xf32> to vector<2048x768xf32>
    %mul3A_80 = arith.mulf %mul3A_78, %mul3A_79 : vector<2048x768xf32>
    %swap3A_81 = arith.constant 0 : index
    %swap3A_82 = arith.constant 0 : index
    %swap3A_83 = vector.load %arg6[%swap3A_81, %swap3A_82] : memref<2048x768xf32, #tpu.memory_space<vmem>>, vector<2048x768xf32>
    tpu.vector_store %arg6[%swap3A_81, %swap3A_82], %mul3A_80 {strides = array<i32>} : memref<2048x768xf32, #tpu.memory_space<vmem>>, vector<2048x768xf32>,
    %get3A_84 = arith.constant 0 : index
    %get3A_85 = arith.constant 0 : index
    %get3A_86 = vector.load %arg4[%get3A_84, %get3A_85] : memref<768x8xf32, #tpu.memory_space<vmem>>, vector<768x8xf32>
    %dot_general3A_87 = arith.constant dense<0.000000e+00> : vector<2048x8xf32>
    %dot_general3A_88 = tpu.matmul %mul3A_80, %get3A_86, %dot_general3A_87 {dimension_numbers = #tpu.dot_dimension_numbers<[1], [0], [0], [1], [0, 0, 1, 1], [], []>, transpose_lhs_hint = false} : vector<2048x768xf32>, vector<768x8xf32>, vector<2048x8xf32> -> vector<2048x8xf32>
    %iota3A = tpu.iota {dimensions = array<i32: 1>} : vector<2048x8xi32>
    %reduce_max3A = arith.constant dense<0xFF800000> : vector<2048xf32>
    %reduce_max3A_89 = vector.multi_reduction <maximumf>, %dot_general3A_88, %reduce_max3A [1] : vector<2048x8xf32> to vector<2048xf32>
    %broadcast_in_dim3A_90 = vector.shape_cast %reduce_max3A_89 : vector<2048xf32> to vector<2048x1xf32>
    %eq3A = vector.broadcast %broadcast_in_dim3A_90 : vector<2048x1xf32> to vector<2048x8xf32>
    %eq3A_91 = arith.cmpf oeq, %dot_general3A_88, %eq3A : vector<2048x8xf32>
    %jit3A = arith.constant 8 : i32
    %broadcast_in_dim3A_92 = vector.broadcast %jit3A : i32 to vector<2048x8xi32>
    %select_n3A = arith.select %eq3A_91, %iota3A, %broadcast_in_dim3A_92 : vector<2048x8xi1>, vector<2048x8xi32>
    %reduce_min3A = arith.constant dense<2147483647> : vector<2048xi32>
    %reduce_min3A_93 = vector.multi_reduction <minsi>, %select_n3A, %reduce_min3A [1] : vector<2048x8xi32> to vector<2048xi32>
    %broadcast_in_dim3A_94 = vector.shape_cast %reduce_min3A_93 : vector<2048xi32> to vector<2048x1xi32>
    %eq3A_95 = vector.broadcast %broadcast_in_dim3A_94 : vector<2048x1xi32> to vector<2048x8xi32>
    %eq3A_96 = arith.cmpi eq, %iota3A, %eq3A_95 : vector<2048x8xi32>
    %jit3A_97 = arith.constant -1.000000e+30 : f32
    %broadcast_in_dim3A_98 = vector.broadcast %jit3A_97 : f32 to vector<2048x8xf32>
    %select_n3A_99 = arith.select %eq3A_96, %broadcast_in_dim3A_98, %dot_general3A_88 : vector<2048x8xi1>, vector<2048x8xf32>
    %reduce_max3A_100 = arith.constant dense<0xFF800000> : vector<2048xf32>
    %reduce_max3A_101 = vector.multi_reduction <maximumf>, %select_n3A_99, %reduce_max3A_100 [1] : vector<2048x8xf32> to vector<2048xf32>
    %broadcast_in_dim3A_102 = vector.shape_cast %reduce_max3A_101 : vector<2048xf32> to vector<2048x1xf32>
    %eq3A_103 = vector.broadcast %broadcast_in_dim3A_102 : vector<2048x1xf32> to vector<2048x8xf32>
    %eq3A_104 = arith.cmpf oeq, %select_n3A_99, %eq3A_103 : vector<2048x8xf32>
    %jit3A_105 = arith.constant 8 : i32
    %broadcast_in_dim3A_106 = vector.broadcast %jit3A_105 : i32 to vector<2048x8xi32>
    %select_n3A_107 = arith.select %eq3A_104, %iota3A, %broadcast_in_dim3A_106 : vector<2048x8xi1>, vector<2048x8xi32>
    %reduce_min3A_108 = arith.constant dense<2147483647> : vector<2048xi32>
    %reduce_min3A_109 = vector.multi_reduction <minsi>, %select_n3A_107, %reduce_min3A_108 [1] : vector<2048x8xi32> to vector<2048xi32>
    %broadcast_in_dim3A_110 = vector.shape_cast %reduce_min3A_109 : vector<2048xi32> to vector<2048x1xi32>
    %sub3A = arith.subf %broadcast_in_dim3A_102, %broadcast_in_dim3A_90 : vector<2048x1xf32>
    %exp3A = math.exp %sub3A : vector<2048x1xf32>
    %add3A_111 = arith.constant 1.000000e+00 : f32
    %add3A_112 = vector.broadcast %add3A_111 : f32 to vector<2048x1xf32>
    %add3A_113 = arith.addf %add3A_112, %exp3A : vector<2048x1xf32>
    %div3A_114 = arith.constant 1.000000e+00 : f32
    %div3A_115 = vector.broadcast %div3A_114 : f32 to vector<2048x1xf32>
    %div3A_116 = arith.divf %div3A_115, %add3A_113 : vector<2048x1xf32>
    %sub3A_117 = arith.constant 1.000000e+00 : f32
    %sub3A_118 = vector.broadcast %sub3A_117 : f32 to vector<2048x1xf32>
    %sub3A_119 = arith.subf %sub3A_118, %div3A_116 : vector<2048x1xf32>
    %eq3A_120 = vector.broadcast %broadcast_in_dim3A_94 : vector<2048x1xi32> to vector<2048x8xi32>
    %eq3A_121 = arith.cmpi eq, %iota3A, %eq3A_120 : vector<2048x8xi32>
    %convert_element_type3A = arith.extui %eq3A_121 : vector<2048x8xi1> to vector<2048x8xi32>
    %convert_element_type3A_122 = arith.sitofp %convert_element_type3A : vector<2048x8xi32> to vector<2048x8xf32>
    %eq3A_123 = vector.broadcast %broadcast_in_dim3A_110 : vector<2048x1xi32> to vector<2048x8xi32>
    %eq3A_124 = arith.cmpi eq, %iota3A, %eq3A_123 : vector<2048x8xi32>
    %convert_element_type3A_125 = arith.extui %eq3A_124 : vector<2048x8xi1> to vector<2048x8xi32>
    %convert_element_type3A_126 = arith.sitofp %convert_element_type3A_125 : vector<2048x8xi32> to vector<2048x8xf32>
    %concatenate3A_127 = tpu.concatenate %convert_element_type3A_122, %convert_element_type3A_126 in 0 : vector<2048x8xf32>, vector<2048x8xf32> -> vector<4096x8xf32>
    %broadcast_in_dim3A_128 = arith.constant 0.000000e+00 : f32
    %broadcast_in_dim3A_129 = vector.broadcast %broadcast_in_dim3A_128 : f32 to vector<1x8xf32>
    %slice3A = vector.extract_strided_slice %concatenate3A_127 {offsets = [0, 0], sizes = [4095, 8], strides = [1, 1]} : vector<4096x8xf32> to vector<4095x8xf32>
    %concatenate3A_130 = tpu.concatenate %broadcast_in_dim3A_129, %slice3A in 0 : vector<1x8xf32>, vector<4095x8xf32> -> vector<4096x8xf32>
    %add3A_131 = arith.addf %concatenate3A_127, %concatenate3A_130 : vector<4096x8xf32>
    %broadcast_in_dim3A_132 = arith.constant 0.000000e+00 : f32
    %broadcast_in_dim3A_133 = vector.broadcast %broadcast_in_dim3A_132 : f32 to vector<2x8xf32>
    %slice3A_134 = vector.extract_strided_slice %add3A_131 {offsets = [0, 0], sizes = [4094, 8], strides = [1, 1]} : vector<4096x8xf32> to vector<4094x8xf32>
    %concatenate3A_135 = tpu.concatenate %broadcast_in_dim3A_133, %slice3A_134 in 0 : vector<2x8xf32>, vector<4094x8xf32> -> vector<4096x8xf32>
    %add3A_136 = arith.addf %add3A_131, %concatenate3A_135 : vector<4096x8xf32>
    %broadcast_in_dim3A_137 = arith.constant 0.000000e+00 : f32
    %broadcast_in_dim3A_138 = vector.broadcast %broadcast_in_dim3A_137 : f32 to vector<4x8xf32>
    %slice3A_139 = vector.extract_strided_slice %add3A_136 {offsets = [0, 0], sizes = [4092, 8], strides = [1, 1]} : vector<4096x8xf32> to vector<4092x8xf32>
    %concatenate3A_140 = tpu.concatenate %broadcast_in_dim3A_138, %slice3A_139 in 0 : vector<4x8xf32>, vector<4092x8xf32> -> vector<4096x8xf32>
    %add3A_141 = arith.addf %add3A_136, %concatenate3A_140 : vector<4096x8xf32>
    %broadcast_in_dim3A_142 = arith.constant 0.000000e+00 : f32
    %broadcast_in_dim3A_143 = vector.broadcast %broadcast_in_dim3A_142 : f32 to vector<8x8xf32>
    %slice3A_144 = vector.extract_strided_slice %add3A_141 {offsets = [0, 0], sizes = [4088, 8], strides = [1, 1]} : vector<4096x8xf32> to vector<4088x8xf32>
    %concatenate3A_145 = tpu.concatenate %broadcast_in_dim3A_143, %slice3A_144 in 0 : vector<8x8xf32>, vector<4088x8xf32> -> vector<4096x8xf32>
    %add3A_146 = arith.addf %add3A_141, %concatenate3A_145 : vector<4096x8xf32>
    %broadcast_in_dim3A_147 = arith.constant 0.000000e+00 : f32
    %broadcast_in_dim3A_148 = vector.broadcast %broadcast_in_dim3A_147 : f32 to vector<16x8xf32>
    %slice3A_149 = vector.extract_strided_slice %add3A_146 {offsets = [0, 0], sizes = [4080, 8], strides = [1, 1]} : vector<4096x8xf32> to vector<4080x8xf32>
    %concatenate3A_150 = tpu.concatenate %broadcast_in_dim3A_148, %slice3A_149 in 0 : vector<16x8xf32>, vector<4080x8xf32> -> vector<4096x8xf32>
    %add3A_151 = arith.addf %add3A_146, %concatenate3A_150 : vector<4096x8xf32>
    %broadcast_in_dim3A_152 = arith.constant 0.000000e+00 : f32
    %broadcast_in_dim3A_153 = vector.broadcast %broadcast_in_dim3A_152 : f32 to vector<32x8xf32>
    %slice3A_154 = vector.extract_strided_slice %add3A_151 {offsets = [0, 0], sizes = [4064, 8], strides = [1, 1]} : vector<4096x8xf32> to vector<4064x8xf32>
    %concatenate3A_155 = tpu.concatenate %broadcast_in_dim3A_153, %slice3A_154 in 0 : vector<32x8xf32>, vector<4064x8xf32> -> vector<4096x8xf32>
    %add3A_156 = arith.addf %add3A_151, %concatenate3A_155 : vector<4096x8xf32>
    %broadcast_in_dim3A_157 = arith.constant 0.000000e+00 : f32
    %broadcast_in_dim3A_158 = vector.broadcast %broadcast_in_dim3A_157 : f32 to vector<64x8xf32>
    %slice3A_159 = vector.extract_strided_slice %add3A_156 {offsets = [0, 0], sizes = [4032, 8], strides = [1, 1]} : vector<4096x8xf32> to vector<4032x8xf32>
    %concatenate3A_160 = tpu.concatenate %broadcast_in_dim3A_158, %slice3A_159 in 0 : vector<64x8xf32>, vector<4032x8xf32> -> vector<4096x8xf32>
    %add3A_161 = arith.addf %add3A_156, %concatenate3A_160 : vector<4096x8xf32>
    %broadcast_in_dim3A_162 = arith.constant 0.000000e+00 : f32
    %broadcast_in_dim3A_163 = vector.broadcast %broadcast_in_dim3A_162 : f32 to vector<128x8xf32>
    %slice3A_164 = vector.extract_strided_slice %add3A_161 {offsets = [0, 0], sizes = [3968, 8], strides = [1, 1]} : vector<4096x8xf32> to vector<3968x8xf32>
    %concatenate3A_165 = tpu.concatenate %broadcast_in_dim3A_163, %slice3A_164 in 0 : vector<128x8xf32>, vector<3968x8xf32> -> vector<4096x8xf32>
    %add3A_166 = arith.addf %add3A_161, %concatenate3A_165 : vector<4096x8xf32>
    %broadcast_in_dim3A_167 = arith.constant 0.000000e+00 : f32
    %broadcast_in_dim3A_168 = vector.broadcast %broadcast_in_dim3A_167 : f32 to vector<256x8xf32>
    %slice3A_169 = vector.extract_strided_slice %add3A_166 {offsets = [0, 0], sizes = [3840, 8], strides = [1, 1]} : vector<4096x8xf32> to vector<3840x8xf32>
    %concatenate3A_170 = tpu.concatenate %broadcast_in_dim3A_168, %slice3A_169 in 0 : vector<256x8xf32>, vector<3840x8xf32> -> vector<4096x8xf32>
    %add3A_171 = arith.addf %add3A_166, %concatenate3A_170 : vector<4096x8xf32>
    %broadcast_in_dim3A_172 = arith.constant 0.000000e+00 : f32
    %broadcast_in_dim3A_173 = vector.broadcast %broadcast_in_dim3A_172 : f32 to vector<512x8xf32>
    %slice3A_174 = vector.extract_strided_slice %add3A_171 {offsets = [0, 0], sizes = [3584, 8], strides = [1, 1]} : vector<4096x8xf32> to vector<3584x8xf32>
    %concatenate3A_175 = tpu.concatenate %broadcast_in_dim3A_173, %slice3A_174 in 0 : vector<512x8xf32>, vector<3584x8xf32> -> vector<4096x8xf32>
    %add3A_176 = arith.addf %add3A_171, %concatenate3A_175 : vector<4096x8xf32>
    %broadcast_in_dim3A_177 = arith.constant 0.000000e+00 : f32
    %broadcast_in_dim3A_178 = vector.broadcast %broadcast_in_dim3A_177 : f32 to vector<1024x8xf32>
    %slice3A_179 = vector.extract_strided_slice %add3A_176 {offsets = [0, 0], sizes = [3072, 8], strides = [1, 1]} : vector<4096x8xf32> to vector<3072x8xf32>
    %concatenate3A_180 = tpu.concatenate %broadcast_in_dim3A_178, %slice3A_179 in 0 : vector<1024x8xf32>, vector<3072x8xf32> -> vector<4096x8xf32>
    %add3A_181 = arith.addf %add3A_176, %concatenate3A_180 : vector<4096x8xf32>
    %broadcast_in_dim3A_182 = arith.constant 0.000000e+00 : f32
    %broadcast_in_dim3A_183 = vector.broadcast %broadcast_in_dim3A_182 : f32 to vector<2048x8xf32>
    %slice3A_184 = vector.extract_strided_slice %add3A_181 {offsets = [0, 0], sizes = [2048, 8], strides = [1, 1]} : vector<4096x8xf32> to vector<2048x8xf32>
    %concatenate3A_185 = tpu.concatenate %broadcast_in_dim3A_183, %slice3A_184 in 0 : vector<2048x8xf32>, vector<2048x8xf32> -> vector<4096x8xf32>
    %add3A_186 = arith.addf %add3A_181, %concatenate3A_185 : vector<4096x8xf32>
    %slice3A_187 = vector.extract_strided_slice %add3A_186 {offsets = [4095, 0], sizes = [1, 8], strides = [1, 1]} : vector<4096x8xf32> to vector<1x8xf32>
    %slice3A_188 = vector.extract_strided_slice %add3A_186 {offsets = [0, 0], sizes = [2048, 8], strides = [1, 1]} : vector<4096x8xf32> to vector<2048x8xf32>
    %mul3A_189 = arith.mulf %slice3A_188, %convert_element_type3A_122 : vector<2048x8xf32>
    %reduce_sum3A_190 = arith.constant dense<0.000000e+00> : vector<2048xf32>
    %reduce_sum3A_191 = vector.multi_reduction <add>, %mul3A_189, %reduce_sum3A_190 [1] : vector<2048x8xf32> to vector<2048xf32>
    %broadcast_in_dim3A_192 = vector.shape_cast %reduce_sum3A_191 : vector<2048xf32> to vector<2048x1xf32>
    %sub3A_193 = arith.constant 1.000000e+00 : f32
    %sub3A_194 = vector.broadcast %sub3A_193 : f32 to vector<2048x1xf32>
    %sub3A_195 = arith.subf %broadcast_in_dim3A_192, %sub3A_194 : vector<2048x1xf32>
    %slice3A_196 = vector.extract_strided_slice %add3A_186 {offsets = [2048, 0], sizes = [2048, 8], strides = [1, 1]} : vector<4096x8xf32> to vector<2048x8xf32>
    %mul3A_197 = arith.mulf %slice3A_196, %convert_element_type3A_126 : vector<2048x8xf32>
    %reduce_sum3A_198 = arith.constant dense<0.000000e+00> : vector<2048xf32>
    %reduce_sum3A_199 = vector.multi_reduction <add>, %mul3A_197, %reduce_sum3A_198 [1] : vector<2048x8xf32> to vector<2048xf32>
    %broadcast_in_dim3A_200 = vector.shape_cast %reduce_sum3A_199 : vector<2048xf32> to vector<2048x1xf32>
    %sub3A_201 = arith.constant 1.000000e+00 : f32
    %sub3A_202 = vector.broadcast %sub3A_201 : f32 to vector<2048x1xf32>
    %sub3A_203 = arith.subf %broadcast_in_dim3A_200, %sub3A_202 : vector<2048x1xf32>
    %convert_element_type3A_204 = arith.fptosi %slice3A_187 : vector<1x8xf32> to vector<1x8xi32>
    %add3A_205 = arith.constant 256 : i32
    %add3A_206 = vector.broadcast %add3A_205 : i32 to vector<1x8xi32>
    %add3A_207 = arith.addi %convert_element_type3A_204, %add3A_206 : vector<1x8xi32>
    %sub3A_208 = arith.constant 1 : i32
    %sub3A_209 = vector.broadcast %sub3A_208 : i32 to vector<1x8xi32>
    %sub3A_210 = arith.subi %add3A_207, %sub3A_209 : vector<1x8xi32>
    %shift_right_arithmetic3A = arith.constant 8 : i32
    %shift_right_arithmetic3A_211 = vector.broadcast %shift_right_arithmetic3A : i32 to vector<1x8xi32>
    %shift_right_arithmetic3A_212 = arith.shrsi %sub3A_210, %shift_right_arithmetic3A_211 : vector<1x8xi32>
    %shift_left3A = arith.constant 8 : i32
    %shift_left3A_213 = vector.broadcast %shift_left3A : i32 to vector<1x8xi32>
    %shift_left3A_214 = arith.shli %shift_right_arithmetic3A_212, %shift_left3A_213 : vector<1x8xi32>
    %iota3A_215 = tpu.iota {dimensions = array<i32: 0>} : vector<8x8xi32>
    %iota3A_216 = tpu.iota {dimensions = array<i32: 1>} : vector<8x8xi32>
    %lt3A = arith.cmpi slt, %iota3A_215, %iota3A_216 : vector<8x8xi32>
    %convert_element_type3A_217 = arith.extui %lt3A : vector<8x8xi1> to vector<8x8xi32>
    %convert_element_type3A_218 = arith.sitofp %convert_element_type3A_217 : vector<8x8xi32> to vector<8x8xf32>
    %convert_element_type3A_219 = arith.sitofp %shift_left3A_214 : vector<1x8xi32> to vector<1x8xf32>
    %dot_general3A_220 = arith.constant dense<0.000000e+00> : vector<1x8xf32>
    %dot_general3A_221 = tpu.matmul %convert_element_type3A_219, %convert_element_type3A_218, %dot_general3A_220 {dimension_numbers = #tpu.dot_dimension_numbers<[1], [0], [0], [1], [0, 0, 1, 1], [], []>, transpose_lhs_hint = false} : vector<1x8xf32>, vector<8x8xf32>, vector<1x8xf32> -> vector<1x8xf32>
    %mul3A_222 = vector.broadcast %dot_general3A_221 : vector<1x8xf32> to vector<2048x8xf32>
    %mul3A_223 = arith.mulf %convert_element_type3A_122, %mul3A_222 : vector<2048x8xf32>
    %reduce_sum3A_224 = arith.constant dense<0.000000e+00> : vector<2048xf32>
    %reduce_sum3A_225 = vector.multi_reduction <add>, %mul3A_223, %reduce_sum3A_224 [1] : vector<2048x8xf32> to vector<2048xf32>
    %broadcast_in_dim3A_226 = vector.shape_cast %reduce_sum3A_225 : vector<2048xf32> to vector<2048x1xf32>
    %add3A_227 = arith.addf %broadcast_in_dim3A_226, %sub3A_195 : vector<2048x1xf32>
    %convert_element_type3A_228 = arith.fptosi %add3A_227 : vector<2048x1xf32> to vector<2048x1xi32>
    %mul3A_229 = vector.broadcast %dot_general3A_221 : vector<1x8xf32> to vector<2048x8xf32>
    %mul3A_230 = arith.mulf %convert_element_type3A_126, %mul3A_229 : vector<2048x8xf32>
    %reduce_sum3A_231 = arith.constant dense<0.000000e+00> : vector<2048xf32>
    %reduce_sum3A_232 = vector.multi_reduction <add>, %mul3A_230, %reduce_sum3A_231 [1] : vector<2048x8xf32> to vector<2048xf32>
    %broadcast_in_dim3A_233 = vector.shape_cast %reduce_sum3A_232 : vector<2048xf32> to vector<2048x1xf32>
    %add3A_234 = arith.addf %broadcast_in_dim3A_233, %sub3A_203 : vector<2048x1xf32>
    %convert_element_type3A_235 = arith.fptosi %add3A_234 : vector<2048x1xf32> to vector<2048x1xi32>
    %broadcast_in_dim3A_236 = arith.constant 0 : i32
    %broadcast_in_dim3A_237 = vector.broadcast %broadcast_in_dim3A_236 : i32 to vector<2048x6xi32>
    %concatenate3A_238 = tpu.concatenate %convert_element_type3A_228, %convert_element_type3A_235, %broadcast_in_dim3A_237 in 1 : vector<2048x1xi32>, vector<2048x1xi32>, vector<2048x6xi32> -> vector<2048x8xi32>
    %swap3A_239 = arith.constant 0 : index
    %swap3A_240 = arith.constant 0 : index
    %swap3A_241 = vector.load %arg7[%swap3A_239, %swap3A_240] : memref<2048x8xi32, #tpu.memory_space<vmem>>, vector<2048x8xi32>
    tpu.vector_store %arg7[%swap3A_239, %swap3A_240], %concatenate3A_238 {strides = array<i32>} : memref<2048x8xi32, #tpu.memory_space<vmem>>, vector<2048x8xi32>,
    %broadcast_in_dim3A_242 = arith.constant 0.000000e+00 : f32
    %broadcast_in_dim3A_243 = vector.broadcast %broadcast_in_dim3A_242 : f32 to vector<2048x6xf32>
    %concatenate3A_244 = tpu.concatenate %div3A_116, %sub3A_119, %broadcast_in_dim3A_243 in 1 : vector<2048x1xf32>, vector<2048x1xf32>, vector<2048x6xf32> -> vector<2048x8xf32>
    %swap3A_245 = arith.constant 0 : index
    %swap3A_246 = arith.constant 0 : index
    %swap3A_247 = vector.load %arg8[%swap3A_245, %swap3A_246] : memref<2048x8xf32, #tpu.memory_space<vmem>>, vector<2048x8xf32>
    tpu.vector_store %arg8[%swap3A_245, %swap3A_246], %concatenate3A_244 {strides = array<i32>} : memref<2048x8xf32, #tpu.memory_space<vmem>>, vector<2048x8xf32>,
    %iota3A_248 = tpu.iota {dimensions = array<i32: 0>} : vector<32x8xi32>
    %mul3A_249 = arith.constant 256 : i32
    %mul3A_250 = vector.broadcast %mul3A_249 : i32 to vector<32x8xi32>
    %mul3A_251 = arith.muli %iota3A_248, %mul3A_250 : vector<32x8xi32>
    %convert_element_type3A_252 = arith.fptosi %dot_general3A_221 : vector<1x8xf32> to vector<1x8xi32>
    %le3A = vector.broadcast %convert_element_type3A_252 : vector<1x8xi32> to vector<32x8xi32>
    %le3A_253 = arith.cmpi sle, %le3A, %mul3A_251 : vector<32x8xi32>
    %convert_element_type3A_254 = arith.extui %le3A_253 : vector<32x8xi1> to vector<32x8xi32>
    %reduce_sum3A_255 = arith.constant dense<0> : vector<32xi32>
    %reduce_sum3A_256 = vector.multi_reduction <add>, %convert_element_type3A_254, %reduce_sum3A_255 [1] : vector<32x8xi32> to vector<32xi32>
    %broadcast_in_dim3A_257 = vector.shape_cast %reduce_sum3A_256 : vector<32xi32> to vector<32x1xi32>
    %sub3A_258 = arith.constant 1 : i32
    %sub3A_259 = vector.broadcast %sub3A_258 : i32 to vector<32x1xi32>
    %sub3A_260 = arith.subi %broadcast_in_dim3A_257, %sub3A_259 : vector<32x1xi32>
    %jit3A_261 = arith.constant 0 : i32
    %jit3A_262 = arith.constant 7 : i32
    %max3A = vector.broadcast %jit3A_261 : i32 to vector<32x1xi32>
    %max3A_263 = arith.maxsi %max3A, %sub3A_260 : vector<32x1xi32>
    %min3A = vector.broadcast %jit3A_262 : i32 to vector<32x1xi32>
    %min3A_264 = arith.minsi %min3A, %max3A_263 : vector<32x1xi32>
    %reduce_sum3A_265 = arith.constant dense<0> : vector<1xi32>
    %reduce_sum3A_266 = vector.multi_reduction <add>, %shift_left3A_214, %reduce_sum3A_265 [1] : vector<1x8xi32> to vector<1xi32>
    %broadcast_in_dim3A_267 = vector.shape_cast %reduce_sum3A_266 : vector<1xi32> to vector<1x1xi32>
    %slice3A_268 = vector.extract_strided_slice %mul3A_251 {offsets = [0, 0], sizes = [32, 1], strides = [1, 1]} : vector<32x8xi32> to vector<32x1xi32>
    %lt3A_269 = vector.broadcast %broadcast_in_dim3A_267 : vector<1x1xi32> to vector<32x1xi32>
    %lt3A_270 = arith.cmpi slt, %slice3A_268, %lt3A_269 : vector<32x1xi32>
    %convert_element_type3A_271 = arith.extui %lt3A_270 : vector<32x1xi1> to vector<32x1xi32>
    %broadcast_in_dim3A_272 = arith.constant 0 : i32
    %broadcast_in_dim3A_273 = vector.broadcast %broadcast_in_dim3A_272 : i32 to vector<32x6xi32>
    %concatenate3A_274 = tpu.concatenate %min3A_264, %convert_element_type3A_271, %broadcast_in_dim3A_273 in 1 : vector<32x1xi32>, vector<32x1xi32>, vector<32x6xi32> -> vector<32x8xi32>
    %swap3A_275 = arith.constant 0 : index
    %swap3A_276 = arith.constant 0 : index
    %swap3A_277 = vector.load %arg9[%swap3A_275, %swap3A_276] : memref<32x8xi32, #tpu.memory_space<vmem>>, vector<32x8xi32>
    tpu.vector_store %arg9[%swap3A_275, %swap3A_276], %concatenate3A_274 {strides = array<i32>} : memref<32x8xi32, #tpu.memory_space<vmem>>, vector<32x8xi32>,
    return
  }
}

module attributes {stable_mosaic.version = 14 : i64} {
  func.func @_ffn_body(%arg0: i32, %arg1: memref<24x2xi32, #tpu.memory_space<smem>>, %arg2: memref<256x768xf32, #tpu.memory_space<vmem>>, %arg3: memref<1x768x2688xf32, #tpu.memory_space<vmem>>, %arg4: memref<1x768x2688xf32, #tpu.memory_space<vmem>>, %arg5: memref<1x2688x768xf32, #tpu.memory_space<vmem>>, %arg6: memref<256x768xf32, #tpu.memory_space<vmem>>) attributes {dimension_semantics = [#tpu.dimension_semantics<arbitrary>], iteration_bounds = array<i64: 24>, scalar_prefetch = 1 : i64, scratch_operands = 0 : i64, tpu.core_type = #tpu.core_type<tc>, window_params = [{transform_indices = @transform_0, window_bounds = array<i64: 256, 768>}, {transform_indices = @transform_1, window_bounds = array<i64: 1, 768, 2688>}, {transform_indices = @transform_2, window_bounds = array<i64: 1, 768, 2688>}, {transform_indices = @transform_3, window_bounds = array<i64: 1, 2688, 768>}, {transform_indices = @transform_4, window_bounds = array<i64: 256, 768>}]} {
    %get3A = arith.index_cast %arg0 : i32 to index
    %get3A_0 = arith.constant 1 : index
    %get3A_1 = memref.load %arg1[%get3A, %get3A_0] : memref<24x2xi32, #tpu.memory_space<smem>>
    %ne3A = arith.constant 0 : i32
    %ne3A_2 = arith.cmpi ne, %get3A_1, %ne3A : i32
    %convert_element_type3A = arith.extui %ne3A_2 : i1 to i32
    %cond3A = arith.constant 0 : i32
    %cond3A_3 = arith.cmpi ne, %convert_element_type3A, %cond3A : i32
    scf.if %cond3A_3 {
      %get3A_4 = arith.constant 0 : index
      %get3A_5 = arith.constant 0 : index
      %get3A_6 = vector.load %arg2[%get3A_4, %get3A_5] : memref<256x768xf32, #tpu.memory_space<vmem>>, vector<256x768xf32>
      %convert_element_type3A_7 = arith.truncf %get3A_6 : vector<256x768xf32> to vector<256x768xbf16>
      %get3A_8 = arith.constant 0 : index
      %get3A_9 = arith.constant 0 : index
      %get3A_10 = arith.constant 0 : index
      %get3A_11 = vector.load %arg3[%get3A_8, %get3A_9, %get3A_10] : memref<1x768x2688xf32, #tpu.memory_space<vmem>>, vector<1x768x2688xf32>
      %get3A_12 = vector.shape_cast %get3A_11 : vector<1x768x2688xf32> to vector<768x2688xf32>
      %convert_element_type3A_13 = arith.truncf %get3A_12 : vector<768x2688xf32> to vector<768x2688xbf16>
      %dot_general3A = arith.constant dense<0.000000e+00> : vector<256x2688xf32>
      %dot_general3A_14 = tpu.matmul %convert_element_type3A_7, %convert_element_type3A_13, %dot_general3A {dimension_numbers = #tpu.dot_dimension_numbers<[1], [0], [0], [1], [0, 0, 1, 1], [], []>, transpose_lhs_hint = false} : vector<256x768xbf16>, vector<768x2688xbf16>, vector<256x2688xf32> -> vector<256x2688xf32>
      %get3A_15 = arith.constant 0 : index
      %get3A_16 = arith.constant 0 : index
      %get3A_17 = arith.constant 0 : index
      %get3A_18 = vector.load %arg4[%get3A_15, %get3A_16, %get3A_17] : memref<1x768x2688xf32, #tpu.memory_space<vmem>>, vector<1x768x2688xf32>
      %get3A_19 = vector.shape_cast %get3A_18 : vector<1x768x2688xf32> to vector<768x2688xf32>
      %convert_element_type3A_20 = arith.truncf %get3A_19 : vector<768x2688xf32> to vector<768x2688xbf16>
      %dot_general3A_21 = arith.constant dense<0.000000e+00> : vector<256x2688xf32>
      %dot_general3A_22 = tpu.matmul %convert_element_type3A_7, %convert_element_type3A_20, %dot_general3A_21 {dimension_numbers = #tpu.dot_dimension_numbers<[1], [0], [0], [1], [0, 0, 1, 1], [], []>, transpose_lhs_hint = false} : vector<256x768xbf16>, vector<768x2688xbf16>, vector<256x2688xf32> -> vector<256x2688xf32>
      %logistic3A = arith.negf %dot_general3A_14 : vector<256x2688xf32>
      %logistic3A_23 = math.exp %logistic3A : vector<256x2688xf32>
      %logistic3A_24 = arith.constant 1.000000e+00 : f32
      %logistic3A_25 = vector.broadcast %logistic3A_24 : f32 to vector<256x2688xf32>
      %logistic3A_26 = arith.addf %logistic3A_25, %logistic3A_23 : vector<256x2688xf32>
      %logistic3A_27 = arith.divf %logistic3A_25, %logistic3A_26 : vector<256x2688xf32>
      %mul3A = arith.mulf %dot_general3A_14, %logistic3A_27 : vector<256x2688xf32>
      %mul3A_28 = arith.mulf %mul3A, %dot_general3A_22 : vector<256x2688xf32>
      %convert_element_type3A_29 = arith.truncf %mul3A_28 : vector<256x2688xf32> to vector<256x2688xbf16>
      %get3A_30 = arith.constant 0 : index
      %get3A_31 = arith.constant 0 : index
      %get3A_32 = arith.constant 0 : index
      %get3A_33 = vector.load %arg5[%get3A_30, %get3A_31, %get3A_32] : memref<1x2688x768xf32, #tpu.memory_space<vmem>>, vector<1x2688x768xf32>
      %get3A_34 = vector.shape_cast %get3A_33 : vector<1x2688x768xf32> to vector<2688x768xf32>
      %convert_element_type3A_35 = arith.truncf %get3A_34 : vector<2688x768xf32> to vector<2688x768xbf16>
      %dot_general3A_36 = arith.constant dense<0.000000e+00> : vector<256x768xf32>
      %dot_general3A_37 = tpu.matmul %convert_element_type3A_29, %convert_element_type3A_35, %dot_general3A_36 {dimension_numbers = #tpu.dot_dimension_numbers<[1], [0], [0], [1], [0, 0, 1, 1], [], []>, transpose_lhs_hint = false} : vector<256x2688xbf16>, vector<2688x768xbf16>, vector<256x768xf32> -> vector<256x768xf32>
      %swap3A = arith.constant 0 : index
      %swap3A_38 = arith.constant 0 : index
      %swap3A_39 = vector.load %arg6[%swap3A, %swap3A_38] : memref<256x768xf32, #tpu.memory_space<vmem>>, vector<256x768xf32>
      tpu.vector_store %arg6[%swap3A, %swap3A_38], %dot_general3A_37 {strides = array<i32>} : memref<256x768xf32, #tpu.memory_space<vmem>>, vector<256x768xf32>,
    } else {
    }
    return
  }
  func.func @transform_0(%arg0: i32, %arg1: memref<24x2xi32, #tpu.memory_space<smem>>) -> (i32, i32) {
    %c0_i32 = arith.constant 0 : i32
    %c0_i32_0 = arith.constant 0 : i32
    return %arg0, %c0_i32 : i32, i32
  }
  func.func @transform_1(%arg0: i32, %arg1: memref<24x2xi32, #tpu.memory_space<smem>>) -> (i32, i32, i32) {
    %get3A = arith.index_cast %arg0 : i32 to index
    %get3A_0 = arith.constant 0 : index
    %get3A_1 = memref.load %arg1[%get3A, %get3A_0] : memref<24x2xi32, #tpu.memory_space<smem>>
    %c0_i32 = arith.constant 0 : i32
    %c0_i32_2 = arith.constant 0 : i32
    %c0_i32_3 = arith.constant 0 : i32
    return %get3A_1, %c0_i32, %c0_i32_2 : i32, i32, i32
  }
  func.func @transform_2(%arg0: i32, %arg1: memref<24x2xi32, #tpu.memory_space<smem>>) -> (i32, i32, i32) {
    %get3A = arith.index_cast %arg0 : i32 to index
    %get3A_0 = arith.constant 0 : index
    %get3A_1 = memref.load %arg1[%get3A, %get3A_0] : memref<24x2xi32, #tpu.memory_space<smem>>
    %c0_i32 = arith.constant 0 : i32
    %c0_i32_2 = arith.constant 0 : i32
    %c0_i32_3 = arith.constant 0 : i32
    return %get3A_1, %c0_i32, %c0_i32_2 : i32, i32, i32
  }
  func.func @transform_3(%arg0: i32, %arg1: memref<24x2xi32, #tpu.memory_space<smem>>) -> (i32, i32, i32) {
    %get3A = arith.index_cast %arg0 : i32 to index
    %get3A_0 = arith.constant 0 : index
    %get3A_1 = memref.load %arg1[%get3A, %get3A_0] : memref<24x2xi32, #tpu.memory_space<smem>>
    %c0_i32 = arith.constant 0 : i32
    %c0_i32_2 = arith.constant 0 : i32
    %c0_i32_3 = arith.constant 0 : i32
    return %get3A_1, %c0_i32, %c0_i32_2 : i32, i32, i32
  }
  func.func @transform_4(%arg0: i32, %arg1: memref<24x2xi32, #tpu.memory_space<smem>>) -> (i32, i32) {
    %c0_i32 = arith.constant 0 : i32
    %c0_i32_0 = arith.constant 0 : i32
    return %arg0, %c0_i32 : i32, i32
  }
}

module attributes {stable_mosaic.version = 14 : i64} {
  func.func @_final_body(%arg0: i32, %arg1: memref<256x768xf32, #tpu.memory_space<vmem>>, %arg2: memref<256x8xf32, #tpu.memory_space<vmem>>, %arg3: memref<256x768xf32, #tpu.memory_space<vmem>>, %arg4: memref<256x768xf32, #tpu.memory_space<vmem>>, %arg5: memref<256x768xf32, #tpu.memory_space<vmem>>) attributes {dimension_semantics = [#tpu.dimension_semantics<arbitrary>], iteration_bounds = array<i64: 8>, scalar_prefetch = 0 : i64, scratch_operands = 0 : i64, tpu.core_type = #tpu.core_type<tc>, window_params = [{transform_indices = @transform_0, window_bounds = array<i64: 256, 768>}, {transform_indices = @transform_1, window_bounds = array<i64: 256, 8>}, {transform_indices = @transform_2, window_bounds = array<i64: 256, 768>}, {transform_indices = @transform_3, window_bounds = array<i64: 256, 768>}, {transform_indices = @transform_4, window_bounds = array<i64: 256, 768>}]} {
    %get3A = arith.constant 0 : index
    %get3A_0 = arith.constant 0 : index
    %get3A_1 = vector.load %arg1[%get3A, %get3A_0] : memref<256x768xf32, #tpu.memory_space<vmem>>, vector<256x768xf32>
    %get3A_2 = arith.constant 0 : index
    %get3A_3 = arith.constant 0 : index
    %get3A_4 = vector.load %arg2[%get3A_2, %get3A_3] : memref<256x8xf32, #tpu.memory_space<vmem>>, vector<256x1xf32>
    %get3A_5 = arith.constant 0 : index
    %get3A_6 = arith.constant 0 : index
    %get3A_7 = vector.load %arg3[%get3A_5, %get3A_6] : memref<256x768xf32, #tpu.memory_space<vmem>>, vector<256x768xf32>
    %mul3A = vector.broadcast %get3A_4 : vector<256x1xf32> to vector<256x768xf32>
    %mul3A_8 = arith.mulf %mul3A, %get3A_7 : vector<256x768xf32>
    %add3A = arith.addf %get3A_1, %mul3A_8 : vector<256x768xf32>
    %get3A_9 = arith.constant 0 : index
    %get3A_10 = arith.constant 1 : index
    %get3A_11 = vector.load %arg2[%get3A_9, %get3A_10] : memref<256x8xf32, #tpu.memory_space<vmem>>, vector<256x1xf32>
    %get3A_12 = arith.constant 0 : index
    %get3A_13 = arith.constant 0 : index
    %get3A_14 = vector.load %arg4[%get3A_12, %get3A_13] : memref<256x768xf32, #tpu.memory_space<vmem>>, vector<256x768xf32>
    %mul3A_15 = vector.broadcast %get3A_11 : vector<256x1xf32> to vector<256x768xf32>
    %mul3A_16 = arith.mulf %mul3A_15, %get3A_14 : vector<256x768xf32>
    %add3A_17 = arith.addf %add3A, %mul3A_16 : vector<256x768xf32>
    %swap3A = arith.constant 0 : index
    %swap3A_18 = arith.constant 0 : index
    %swap3A_19 = vector.load %arg5[%swap3A, %swap3A_18] : memref<256x768xf32, #tpu.memory_space<vmem>>, vector<256x768xf32>
    tpu.vector_store %arg5[%swap3A, %swap3A_18], %add3A_17 {strides = array<i32>} : memref<256x768xf32, #tpu.memory_space<vmem>>, vector<256x768xf32>,
    return
  }
  func.func @transform_0(%arg0: i32) -> (i32, i32) {
    %c0_i32 = arith.constant 0 : i32
    %c0_i32_0 = arith.constant 0 : i32
    return %arg0, %c0_i32 : i32, i32
  }
  func.func @transform_1(%arg0: i32) -> (i32, i32) {
    %c0_i32 = arith.constant 0 : i32
    %c0_i32_0 = arith.constant 0 : i32
    return %arg0, %c0_i32 : i32, i32
  }
  func.func @transform_2(%arg0: i32) -> (i32, i32) {
    %c0_i32 = arith.constant 0 : i32
    %c0_i32_0 = arith.constant 0 : i32
    return %arg0, %c0_i32 : i32, i32
  }
  func.func @transform_3(%arg0: i32) -> (i32, i32) {
    %c0_i32 = arith.constant 0 : i32
    %c0_i32_0 = arith.constant 0 : i32
    return %arg0, %c0_i32 : i32, i32
  }
  func.func @transform_4(%arg0: i32) -> (i32, i32) {
    %c0_i32 = arith.constant 0 : i32
    %c0_i32_0 = arith.constant 0 : i32
    return %arg0, %c0_i32 : i32, i32
  }
}

</mosaic_0001>

<sc_bundles>
// kernel: kernel.12.cloned.1.call-start
scs
__scs_entry_jumppad:
0x0: {  	(pc) =	sbr.rel $0x88, $3  }
0x1: {  	(tag) =	ssettag $0x0;
	lr =	simm.s32 $0x1  }
0x2: {  	[smem:$0x3F96] =	sst lr;
	_ =	strace $0xD0000000  }
0x3: {  	_ = 	snop  }
0x4: {  	_ = 	snop  }
0x5: {  	_ = 	snop  }
0x6: {  	_ = 	snop  }
0x7: {  	_ = 	snop  }
__scs_overlays_trampoline_lowered:
0x8: {  	[smem:$0x3FA5] =	sst s0  }
0x9: {  	[smem:$0x3FA6] =	sst s1  }
0xa: {  	[smem:$0x3FA7] =	sst s2  }
0xb: {  	[smem:$0x3FA8] =	sst s3  }
0xc: {  	[smem:$0x3FA9] =	sst s4  }
0xd: {  	[smem:$0x3FAA] =	sst s5  }
0xe: {  	[smem:$0x3FAB] =	sst s6  }
0xf: {  	[smem:$0x3FAC] =	sst s7  }
0x10: {  	[smem:$0x3FAD] =	sst s8  }
0x11: {  	[smem:$0x3FAE] =	sst s9;
	s0 =	simm.s32 @!p0 $0x0  }
0x12: {  	s1 =	sld [smem:$0x3F94];
	s0 =	simm.s32 @p0 $0x1  }
0x13: {  	[smem:$0x3FAF] =	sst s0;
	s0 =	simm.s32 @!p1 $0x0  }
0x14: {  	s2 =	sld [smem:$0x3F93];
	s0 =	simm.s32 @p1 $0x1  }
0x15: {  	[smem:$0x3FB0] =	sst s0;
	s0 =	simm.s32 @!p2 $0x0  }
0x16: {  	s3 =	sld [smem:$0x3FDB];
	s0 =	simm.s32 @p2 $0x1  }
0x17: {  	s4 =	simm.s32 $0x1BF5;
	[smem:$0x3FB2] =	sst s0  }
0x18: {  	s0 =	sld [smem:$0x3F95];
	_ =	swait.ge [sflag:s4], $0x0  }
0x19: {  	s7 =	sld [smem:$0x3F96]  }
0x1a: {  	s8 =	sadd.s32 $0xFFFFE003, lr  }
0x1b: {  	s9 =	sadd.s32 $0xFFFFFEF7, lr;
	s5 =	simm.s32 $0xFFFFFFFF;
	p2 =	slt.u32 s8, $0xFFFFF086  }
0x1c: {  	p1 =	slt.u32 s9, $0xF7A;
	s5 =	simm.s32 @!p2 $0x0  }
0x1d: {  	s5 =	simm.s32 @p1 $0x1;
	p0 =	seq.s32 s7, s2  }
0x1e: {  	s7 =	smul.u32 @!p0 $0xF7A, s2;
	p2 =	seq.s32 @!p0 s5, $0x0  }
0x1f: {  	s9 =	smul.u32 $0xF7A, s1;
	s8 =	simm.s32 @!p0 $0x1BF5;
	p2 =	por !p2, p0  }
0x20: {  	[sflag:s8] =	ssyncset.s32 @!p0 $0xFFFFF086;
	s6 =	sadd.s32 @!p0 s3, s7;
	s7 =	simm.s32 @!p0 $0x108  }
0x21: {  	s3 =	sadd.s32 s3, s9;
	s6 =	sadd.s32 @!p0 $0x88, s6;
	s7 =	simm.s32 @p2 $0x1082  }
0x22: {  	[simem:s7], [sflag:s8] =	dma.local @!p0 [hbm:s6], $0xF7A  }
0x23: {  	s9 =	sor.u32 $0xD0000000, s2;
	s6 =	simm.s32 $0x108;
	_ =	swait.ge @!p0 [sflag:s8], $0x0  }
0x24: {  	s3 =	sadd.s32 $0x88, s3;
	s6 =	simm.s32 @!p1 $0x1082;
	[sflag:s4] =	ssyncset.s32 $0xFFFFF086  }
0x25: {  	[simem:s6], [sflag:s4] =	dma.local [hbm:s3], $0xF7A  }
0x26: {  	[smem:$0x3F96] =	sst s1;
	(tag) =	ssettag s2;
	_ =	strace s9  }
0x27: {  	s1 =	sld [smem:$0x3FA6]  }
0x28: {  	s2 =	sld [smem:$0x3FA7]  }
0x29: {  	s4 =	sld [smem:$0x3FA9]  }
0x2a: {  	p0 =	seq.s32 s5, $0x0;
	s5 =	sld [smem:$0x3FAA]  }
0x2b: {  	s6 =	sld [smem:$0x3FAB]  }
0x2c: {  	s7 =	sld [smem:$0x3FAC]  }
0x2d: {  	s3 =	simm.s32 $0x108;
	s8 =	sld [smem:$0x3FAD]  }
0x2e: {  	s3 =	simm.s32 @!p0 $0x1082;
	s9 =	sld [smem:$0x3FAE]  }
0x2f: {  	lr =	sadd.s32 s0, s3;
	s0 =	sld [smem:$0x3FA5]  }
0x30: {  	s3 =	sld [smem:$0x3FA8]  }
0x31: {  	[smem:$0x3FB1] =	sst s10  }
0x32: {  	s10 =	sld [smem:$0x3FAF];
	_ =	sdelay $0x3  }
0x33: {  	p0 =	seq.s32 s10, $0x1;
	s10 =	sld [smem:$0x3FB1];
	_ =	sdelay $0x3  }
0x34: {  	[smem:$0x3FB1] =	sst s10  }
0x35: {  	s10 =	sld [smem:$0x3FB0];
	_ =	sdelay $0x3  }
0x36: {  	p1 =	seq.s32 s10, $0x1;
	s10 =	sld [smem:$0x3FB1];
	_ =	sdelay $0x3  }
0x37: {  	[smem:$0x3FB1] =	sst s10  }
0x38: {  	s10 =	sld [smem:$0x3FB2]  }
0x39: {  	_ = 	snop;
	(pc) =	sbr.ind lr, $3  }
0x3a: {  	_ = 	snop  }
0x3b: {  	_ = 	snop  }
0x3c: {  	p2 =	seq.s32 s10, $0x1;
	s10 =	sld [smem:$0x3FB1]  }
0x3d: {  	_ =	shalt  }
0x3e: {  	_ =	shalt  }
0x3f: {  	_ =	shalt  }
0x40: {  	_ =	shalt  }
0x41: {  	_ =	shalt  }
0x42: {  	_ =	shalt  }
0x43: {  	_ =	shalt  }
0x44: {  	_ =	shalt  }
0x45: {  	_ =	shalt  }
0x46: {  	_ =	shalt  }
0x47: {  	_ =	shalt  }
0x48: {  	_ =	shalt  }
0x49: {  	_ =	shalt  }
0x4a: {  	_ =	shalt  }
0x4b: {  	_ =	shalt  }
0x4c: {  	_ =	shalt  }
0x4d: {  	_ =	shalt  }
0x4e: {  	_ =	shalt  }
0x4f: {  	_ =	shalt  }
0x50: {  	_ =	shalt  }
0x51: {  	_ =	shalt  }
0x52: {  	_ =	shalt  }
0x53: {  	_ =	shalt  }
0x54: {  	_ =	shalt  }
0x55: {  	_ =	shalt  }
0x56: {  	_ =	shalt  }
0x57: {  	_ =	shalt  }
0x58: {  	_ =	shalt  }
0x59: {  	_ =	shalt  }
0x5a: {  	_ =	shalt  }
0x5b: {  	_ =	shalt  }
0x5c: {  	_ =	shalt  }
0x5d: {  	_ =	shalt  }
0x5e: {  	_ =	shalt  }
0x5f: {  	_ =	shalt  }
0x60: {  	_ =	shalt  }
0x61: {  	_ =	shalt  }
0x62: {  	_ =	shalt  }
0x63: {  	_ =	shalt  }
0x64: {  	_ =	shalt  }
0x65: {  	_ =	shalt  }
0x66: {  	_ =	shalt  }
0x67: {  	_ =	shalt  }
0x68: {  	_ =	shalt  }
0x69: {  	_ =	shalt  }
0x6a: {  	_ =	shalt  }
0x6b: {  	_ =	shalt  }
0x6c: {  	_ =	shalt  }
0x6d: {  	_ =	shalt  }
0x6e: {  	_ =	shalt  }
0x6f: {  	_ =	shalt  }
0x70: {  	_ =	shalt  }
0x71: {  	_ =	shalt  }
0x72: {  	_ =	shalt  }
0x73: {  	_ =	shalt  }
0x74: {  	_ =	shalt  }
0x75: {  	_ =	shalt  }
0x76: {  	_ =	shalt  }
0x77: {  	_ =	shalt  }
0x78: {  	_ =	shalt  }
0x79: {  	_ =	shalt  }
0x7a: {  	_ =	shalt  }
0x7b: {  	_ =	shalt  }
0x7c: {  	_ =	shalt  }
0x7d: {  	_ =	shalt  }
0x7e: {  	_ =	shalt  }
0x7f: {  	_ =	shalt  }
0x80: {  	_ =	shalt  }
0x81: {  	_ =	shalt  }
0x82: {  	_ =	shalt  }
0x83: {  	_ =	shalt  }
0x84: {  	_ =	shalt  }
0x85: {  	_ =	shalt  }
0x86: {  	_ =	shalt  }
0x87: {  	_ =	shalt  }
.Lfunc_end0:
.L_simem_size_0:
called_computation.1_lowered:
.L_overlay_start_0:
0x88: {  	s2 =	sld [smem:$0x3FD9]  }
0x89: {  	s3 =	sld [smem:$0x3FFE];
	_ =	sdelay $0x1  }
0x8a: {  	s1 =	srdreg.scid  }
0x8b: {  	s0 =	sand.u32 $0x1, s1  }
0x8c: {  	s16 =	sshll.u32 s0, $0xA;
	s2 =	sadd.s32 s3, s2  }
0x8d: {  	s2 =	sadd.s32 s2, s16  }
0x8e: {  	[smem:$0x3FBD] =	sst s2  }
0x8f: {  	_ = 	snop  }
0x90: {  	(tm) =	ssettm $0x1  }
0x91: {  	s17 =	sld [smem:$0x3FFB];
	_ =	sdelay $0x3  }
0x92: {  	_ =	strace s17  }
0x93: {  	s2 =	sld [smem:$0x3FFC];
	_ =	sdelay $0x3  }
0x94: {  	_ =	strace s2  }
0x95: {  	s2 =	sld [smem:$0x3FFD];
	_ =	sdelay $0x3  }
0x96: {  	_ =	strace s2  }
0x97: {  	_ =	strace $0x8FFFFFFF  }
0x98: {  	s18 =	sld [smem:$0x3FDB];
	_ =	sdelay $0x1  }
0x99: {  	s19 =	simm.s32 $_scs_section_size  }
0x9a: {  	s4 =	simm.s32 $_size__tile_overlayer_lowered;
	s5 =	simm.s32 $_tile_overlayer_lowered  }
0x9b: {  	s22 =	simm.s32 $0x1BFF;
	s21 =	sshll.u32 s5, $0x1;
	s2 =	sadd.s32 s19, s18  }
0x9c: {  	s6 =	simm.s32 $0x0;
	s20 =	sshll.u32 s4, $0x1;
	s4 =	sadd.s32 s21, s2  }
0x9d: {  	[timem:s6], [sflag:s22] =	dma.local [hbm:s4], s20  }
0x9e: {  	_ =	swait.ge [sflag:s22], s20  }
0x9f: {  	s3 =	ssub.s32 $0x0, s20;
	[sflag:s22] =	ssyncset.done $0x0  }
0xa0: {  	[sflag:s22] =	ssyncadd.s32 s3;
	_ =	sdelay $0x1  }
0xa1: {  	s23 =	simm.s32 $0x1B8B  }
0xa2: {  	_ =	swait.ge [sflag:s23], $0x1  }
0xa3: {  	[sflag:s23] =	ssyncset.done $0x0  }
0xa4: {  	s25 =	simm.s32 $0x1B8E;
	s24 =	sld [smem:$0x3FFE];
	[sflag:s23] =	ssyncadd.s32 $0xFFFFFFFF  }
0xa5: {  	s26 =	simm.s32 $execute0_lowered;
	[smem:$0x3FD2] =	sst s25  }
0xa6: {  	s4 =	sshll.u32 s26, $0x1;
	_ =	strace $0x80000049;
	[dreg:$0x1] =	wrdreg $0xFFFFFFFF  }
0xa7: {  	s28 =	simm.s32 $_size_execute0_lowered;
	s2 =	sadd.s32 s2, s4;
	[dreg:$0x0] =	wrdreg $0x0  }
0xa8: {  	s4 =	sshll.u32 s28, $0x1;
	[dreg:$0x2] =	wrdreg s2  }
0xa9: {  	[dreg:$0x3] =	wrdreg s4  }
0xaa: {  	[dreg:$0x4] =	wrdreg $0xC0  }
0xab: {  	_ =	task [dreg:s6], $0x5FFFF  }
0xac: {  	[dreg:$0x1] =	wrdreg $0xFFFFFFFF  }
0xad: {  	[dreg:$0x0] =	wrdreg $0x60  }
0xae: {  	[dreg:$0x2] =	wrdreg s24  }
0xaf: {  	[dreg:$0x3] =	wrdreg $0x9  }
0xb0: {  	_ =	task.clear_ibuf [dreg:s6], $0x4FFFF;
	_ =	strace $0x90000049  }
0xb1: {  	s29 =	simm.s32 $0x9;
	_ =	strace $0x8000004B  }
0xb2: {  	_ =	swait.ge [sflag:s29], $0x1  }
0xb3: {  	[sflag:s29] =	ssyncadd.s32 $0xFFFFFFFF  }
0xb4: {  	_ =	strace $0x9000004B  }
0xb5: {  	_ =	sfence  }
0xb6: {  	s30 =	sld [smem:$0x0];
	_ =	sdelay $0x2  }
0xb7: {  	s31 =	sshll.u32 s1, $0xD;
	s1 =	sshrl.u32 s1, $0x2  }
0xb8: {  	s3 =	sand.u32 $0x4000, s31;
	s1 =	sadd.s32 s1, s30  }
0xb9: {  	s0 =	sor.u32 s3, s0;
	s1 =	sshll.u32 s1, $0x11  }
0xba: {  	s0 =	sor.u32 s1, s0  }
0xbb: {  	s0 =	sadd.s32 $0x8F2B, s0  }
0xbc: {  	[sflag:s0] =	ssyncadd.remote.s32 $0x1  }
0xbd: {  	_ =	sfence.sel $0xFFFF  }
0xbe: {  	[dreg:$0x0] =	wrdreg $0xFFFFFFFF;
	(pc) =	sbr.abs _section_cstart, $3  }
0xbf: {  	[dreg:$0x1] =	wrdreg $0xFFFFFFFF  }
0xc0: {  	_ =	task.clear_ibuf [dreg:s6], $0x2FFFF;
	_ =	strace $0x9FFFFFFF  }
0xc1: {  	(tm) =	ssettm $0x7FFFFFFF  }
tec
execute0_lowered:
.L_overlay_start_1:
0x0: {  	(tag) =	ssettag $0x1  }
0x1: {  	s0 =	srdreg.scid  }
0x2: {  	s2 =	stileid.u32;
	s1 =	rddreg [dreg:$0x0];
	s10 =	simm.s32 $0x880  }
0x3: {  	s11 =	simm.s32 $0x1080;
	s12 =	simm.s32 $0x1880;
	s13 =	simm.s32 $0x2080  }
0x4: {  	s14 =	simm.s32 $0x2880;
	s15 =	simm.s32 $0x3080;
	s16 =	simm.s32 $0x3880  }
0x5: {  	s17 =	simm.s32 $0x4080;
	s18 =	simm.s32 $0x4880;
	s19 =	simm.s32 $0x5080  }
0x6: {  	s20 =	simm.s32 $0x5880;
	s21 =	simm.s32 $0x6080;
	s22 =	simm.s32 $0x6880  }
0x7: {  	s23 =	simm.s32 $0x7080;
	s24 =	simm.s32 $0x7880;
	s28 =	simm.s32 $0x9080  }
0x8: {  	s29 =	simm.s32 $0x9880;
	s30 =	simm.s32 $0xA080;
	s31 =	simm.s32 $0xA880  }
0x9: {  	s0 =	sand.u32 $0x1, s0;
	s3 =	sshll.u32 s2, $0x4;
	s2 =	simm.s32 $0x0  }
0xa: {  	s4 =	sshll.u32 s0, $0x3;
	[smem:$0x7FF] =	sst s2;
	s0 =	ssub.s32 $0x2, s0  }
0xb: {  	s3 =	sor.u32 s4, s3;
	_ =	strace $0x8000004A;
	s7 =	sshrl.u32 s0, $0x1  }
0xc: {  	s4 =	smul.u32 $0x300, s3;
	s5 =	sadd.s32 s3, s1;
	s3 =	sadd.s32 $0xCB200, s1  }
0xd: {  	s0 =	ssub.s32 s0, s7;
	s7 =	simm.s32 $0x2;
	s6 =	sadd.s32 $0x3AA00, s5  }
0xe: {  	s5 =	sadd.s32 $0x3AC00, s5;
	s4 =	sadd.s32 s4, s1;
	[dreg:$0x2] =	wrdreg s6  }
0xf: {  	[dreg:$0x4] =	wrdreg s5;
	s5 =	sadd.s32 $0xCB400, s1;
	s6 =	smax.u32 s0, $0x1  }
0x10: {  	v2 =	vlaneseq.u32;
	s0 =	simm.s32 $0x1;
	s25 =	sadd.s32 $0x2800, s4;
	s26 =	sadd.s32 $0x3AE00, s4  }
0x11: {  	vm0 =	vmmov $0xffff;
	v1 =	vshrl.u32 v2, $0x3;
	s4 =	sadd.s32 $0xCB300, s1;
	s1 =	simm.s32 $0x80;
	[dreg:$0x3] =	wrdreg s25  }
0x12: {  	v0 =	vand.u32 $0x7, v2;
	v2 =	vor.u32 $0x8, v2;
	v1 =	vmul.u32 $0x8, v1;
	[dreg:$0x5] =	wrdreg s26;
	s25 =	simm.s32 $0x8080;
	s26 =	simm.s32 $0x8880  }
.LBB2_1:
0x13: {  	s9 =	rddreg [dreg:$0x2]  }
0x14: {  	[tilespmem:s2], [sflag:$0x2] =	stream.linear.gather [hbm4b:s9+s2], $0x40, $0x38;
	[tilespmem:$0xC080] =	vst v63  }
0x15: {  	_ =	swait.ge [sflag:s7], $0x40  }
0x16: {  	[sflag:s7] =	ssyncset.done $0x0  }
0x17: {  	[sflag:s7] =	ssyncadd.s32 $0xFFFFFFC0  }
0x18: {  	v3 =	vld [tilespmem:$0x0];
	_ =	sdelay $0x4  }
0x19: {  	v4 =	vshrl.u32 v3, $0x3  }
0x1a: {  	v4 =	vmul.u32 $0x30, v4  }
0x1b: {  	v3 =	vand.u32 $0x7, v3  }
0x1c: {  	v3 =	vor.u32 v3, v4  }
0x1d: {  	v4 =	vperm.xlane v3, v0;
	_ =	sdelay $0x1  }
0x1e: {  	v4 =	vadd.s32 v1, v4;
	_ =	sdelay $0x3  }
0x1f: {  	v3 =	vperm.xlane v3, v2  }
0x20: {  	[tilespmem:s1], [sflag:$0x1] =	stream.indirect_vreg.gather [hbm4b:s3+s2], $0x80, v4, vm0, $0xb8;
	[tilespmem:$0xC080] =	vst v63  }
0x21: {  	v3 =	vadd.s32 v1, v3  }
0x22: {  	[tilespmem:s10], [sflag:$0x1] =	stream.indirect_vreg.gather [hbm4b:s4+s2], $0x80, v4, vm0, $0xb8;
	[tilespmem:$0xC080] =	vst v63  }
0x23: {  	_ = 	snop  }
0x24: {  	[tilespmem:s11], [sflag:$0x1] =	stream.indirect_vreg.gather [hbm4b:s5+s2], $0x80, v4, vm0, $0xb8;
	[tilespmem:$0xC080] =	vst v63  }
0x25: {  	_ = 	snop  }
0x26: {  	[tilespmem:s12], [sflag:$0x1] =	stream.indirect_vreg.gather [hbm4b:s3+s2], $0x80, v3, vm0, $0xb8;
	[tilespmem:$0xC080] =	vst v63  }
0x27: {  	_ = 	snop  }
0x28: {  	[tilespmem:s13], [sflag:$0x1] =	stream.indirect_vreg.gather [hbm4b:s4+s2], $0x80, v3, vm0, $0xb8;
	[tilespmem:$0xC080] =	vst v63  }
0x29: {  	_ = 	snop  }
0x2a: {  	[tilespmem:s14], [sflag:$0x1] =	stream.indirect_vreg.gather [hbm4b:s5+s2], $0x80, v3, vm0, $0xb8;
	[tilespmem:$0xC080] =	vst v63  }
0x2b: {  	v3 =	vld [tilespmem:$0x10];
	_ =	sdelay $0x4  }
0x2c: {  	v57 =	vshrl.u32 v3, $0x3  }
0x2d: {  	v4 =	vmul.u32 $0x30, v57  }
0x2e: {  	v3 =	vand.u32 $0x7, v3  }
0x2f: {  	v3 =	vor.u32 v3, v4  }
0x30: {  	v4 =	vperm.xlane v3, v0;
	_ =	sdelay $0x1  }
0x31: {  	v4 =	vadd.s32 v1, v4;
	_ =	sdelay $0x3  }
0x32: {  	v3 =	vperm.xlane v3, v2  }
0x33: {  	[tilespmem:s15], [sflag:$0x1] =	stream.indirect_vreg.gather [hbm4b:s3+s2], $0x80, v4, vm0, $0xb8;
	[tilespmem:$0xC080] =	vst v63  }
0x34: {  	v3 =	vadd.s32 v1, v3  }
0x35: {  	[tilespmem:s16], [sflag:$0x1] =	stream.indirect_vreg.gather [hbm4b:s4+s2], $0x80, v4, vm0, $0xb8;
	[tilespmem:$0xC080] =	vst v63  }
0x36: {  	_ = 	snop  }
0x37: {  	[tilespmem:s17], [sflag:$0x1] =	stream.indirect_vreg.gather [hbm4b:s5+s2], $0x80, v4, vm0, $0xb8;
	[tilespmem:$0xC080] =	vst v63  }
0x38: {  	_ = 	snop  }
0x39: {  	[tilespmem:s18], [sflag:$0x1] =	stream.indirect_vreg.gather [hbm4b:s3+s2], $0x80, v3, vm0, $0xb8;
	[tilespmem:$0xC080] =	vst v63  }
0x3a: {  	_ = 	snop  }
0x3b: {  	[tilespmem:s19], [sflag:$0x1] =	stream.indirect_vreg.gather [hbm4b:s4+s2], $0x80, v3, vm0, $0xb8;
	[tilespmem:$0xC080] =	vst v63  }
0x3c: {  	_ = 	snop  }
0x3d: {  	[tilespmem:s20], [sflag:$0x1] =	stream.indirect_vreg.gather [hbm4b:s5+s2], $0x80, v3, vm0, $0xb8;
	[tilespmem:$0xC080] =	vst v63  }
0x3e: {  	v3 =	vld [tilespmem:$0x20];
	_ =	sdelay $0x4  }
0x3f: {  	v58 =	vshrl.u32 v3, $0x3  }
0x40: {  	v4 =	vmul.u32 $0x30, v58  }
0x41: {  	v3 =	vand.u32 $0x7, v3  }
0x42: {  	v3 =	vor.u32 v3, v4  }
0x43: {  	v4 =	vperm.xlane v3, v0;
	_ =	sdelay $0x1  }
0x44: {  	v4 =	vadd.s32 v1, v4;
	_ =	sdelay $0x3  }
0x45: {  	v3 =	vperm.xlane v3, v2  }
0x46: {  	[tilespmem:s21], [sflag:$0x1] =	stream.indirect_vreg.gather [hbm4b:s3+s2], $0x80, v4, vm0, $0xb8;
	[tilespmem:$0xC080] =	vst v63  }
0x47: {  	v3 =	vadd.s32 v1, v3  }
0x48: {  	[tilespmem:s22], [sflag:$0x1] =	stream.indirect_vreg.gather [hbm4b:s4+s2], $0x80, v4, vm0, $0xb8;
	[tilespmem:$0xC080] =	vst v63  }
0x49: {  	_ = 	snop  }
0x4a: {  	[tilespmem:s23], [sflag:$0x1] =	stream.indirect_vreg.gather [hbm4b:s5+s2], $0x80, v4, vm0, $0xb8;
	[tilespmem:$0xC080] =	vst v63  }
0x4b: {  	_ = 	snop  }
0x4c: {  	[tilespmem:s24], [sflag:$0x1] =	stream.indirect_vreg.gather [hbm4b:s3+s2], $0x80, v3, vm0, $0xb8;
	[tilespmem:$0xC080] =	vst v63  }
0x4d: {  	_ = 	snop  }
0x4e: {  	[tilespmem:s25], [sflag:$0x1] =	stream.indirect_vreg.gather [hbm4b:s4+s2], $0x80, v3, vm0, $0xb8;
	[tilespmem:$0xC080] =	vst v63  }
0x4f: {  	_ = 	snop  }
0x50: {  	[tilespmem:s26], [sflag:$0x1] =	stream.indirect_vreg.gather [hbm4b:s5+s2], $0x80, v3, vm0, $0xb8;
	[tilespmem:$0xC080] =	vst v63  }
0x51: {  	v3 =	vld [tilespmem:$0x30];
	_ =	sdelay $0x4  }
0x52: {  	v59 =	vshrl.u32 v3, $0x3  }
0x53: {  	v4 =	vmul.u32 $0x30, v59  }
0x54: {  	v3 =	vand.u32 $0x7, v3  }
0x55: {  	v3 =	vor.u32 v3, v4  }
0x56: {  	v4 =	vperm.xlane v3, v0;
	_ =	sdelay $0x1  }
0x57: {  	v4 =	vadd.s32 v1, v4;
	_ =	sdelay $0x3  }
0x58: {  	v3 =	vperm.xlane v3, v2  }
0x59: {  	[tilespmem:s28], [sflag:$0x1] =	stream.indirect_vreg.gather [hbm4b:s3+s2], $0x80, v4, vm0, $0xb8;
	[tilespmem:$0xC080] =	vst v63  }
0x5a: {  	v3 =	vadd.s32 v1, v3  }
0x5b: {  	[tilespmem:s29], [sflag:$0x1] =	stream.indirect_vreg.gather [hbm4b:s4+s2], $0x80, v4, vm0, $0xb8;
	[tilespmem:$0xC080] =	vst v63  }
0x5c: {  	_ = 	snop  }
0x5d: {  	[tilespmem:s30], [sflag:$0x1] =	stream.indirect_vreg.gather [hbm4b:s5+s2], $0x80, v4, vm0, $0xb8;
	[tilespmem:$0xC080] =	vst v63  }
0x5e: {  	_ = 	snop  }
0x5f: {  	[tilespmem:s31], [sflag:$0x1] =	stream.indirect_vreg.gather [hbm4b:s3+s2], $0x80, v3, vm0, $0xb8;
	[tilespmem:$0xC080] =	vst v63  }
0x60: {  	s8 =	simm.s32 $0xB080  }
0x61: {  	[tilespmem:s8], [sflag:$0x1] =	stream.indirect_vreg.gather [hbm4b:s4+s2], $0x80, v3, vm0, $0xb8;
	[tilespmem:$0xC080] =	vst v63  }
0x62: {  	s8 =	simm.s32 $0xB880  }
0x63: {  	[tilespmem:s8], [sflag:$0x1] =	stream.indirect_vreg.gather [hbm4b:s5+s2], $0x80, v3, vm0, $0xb8;
	[tilespmem:$0xC080] =	vst v63  }
0x64: {  	_ =	swait.ge [sflag:s0], $0xC000  }
0x65: {  	[sflag:s0] =	ssyncset.done $0x0  }
0x66: {  	s9 =	rddreg [dreg:$0x3];
	[sflag:s0] =	ssyncadd.s32 $0xFFFF4000  }
0x67: {  	[hbm4b:s9+s2] =	stream.linear.scatter [tilespmem:s1], [sflag:$0x2], $0xC000, $0x38;
	[tilespmem:$0xC080] =	vst v63  }
0x68: {  	_ =	swait.ge [sflag:s7], $0xC000  }
0x69: {  	[sflag:s7] =	ssyncset.done $0x0  }
0x6a: {  	s9 =	rddreg [dreg:$0x4];
	[sflag:s7] =	ssyncadd.s32 $0xFFFF4000  }
0x6b: {  	[tilespmem:s2], [sflag:$0x2] =	stream.linear.gather [hbm4b:s9+s2], $0x40, $0x38;
	[tilespmem:$0xC080] =	vst v63  }
0x6c: {  	_ =	swait.ge [sflag:s7], $0x40  }
0x6d: {  	[sflag:s7] =	ssyncset.done $0x0  }
0x6e: {  	[sflag:s7] =	ssyncadd.s32 $0xFFFFFFC0  }
0x6f: {  	v3 =	vld [tilespmem:$0x0];
	_ =	sdelay $0x4  }
0x70: {  	v60 =	vshrl.u32 v3, $0x3  }
0x71: {  	v4 =	vmul.u32 $0x30, v60  }
0x72: {  	v3 =	vand.u32 $0x7, v3  }
0x73: {  	v3 =	vor.u32 v3, v4  }
0x74: {  	v4 =	vperm.xlane v3, v0;
	_ =	sdelay $0x1  }
0x75: {  	v4 =	vadd.s32 v1, v4;
	_ =	sdelay $0x3  }
0x76: {  	v3 =	vperm.xlane v3, v2  }
0x77: {  	[tilespmem:s1], [sflag:$0x1] =	stream.indirect_vreg.gather [hbm4b:s3+s2], $0x80, v4, vm0, $0xb8;
	[tilespmem:$0xC080] =	vst v63  }
0x78: {  	v3 =	vadd.s32 v1, v3  }
0x79: {  	[tilespmem:s10], [sflag:$0x1] =	stream.indirect_vreg.gather [hbm4b:s4+s2], $0x80, v4, vm0, $0xb8;
	[tilespmem:$0xC080] =	vst v63  }
0x7a: {  	_ = 	snop  }
0x7b: {  	[tilespmem:s11], [sflag:$0x1] =	stream.indirect_vreg.gather [hbm4b:s5+s2], $0x80, v4, vm0, $0xb8;
	[tilespmem:$0xC080] =	vst v63  }
0x7c: {  	_ = 	snop  }
0x7d: {  	[tilespmem:s12], [sflag:$0x1] =	stream.indirect_vreg.gather [hbm4b:s3+s2], $0x80, v3, vm0, $0xb8;
	[tilespmem:$0xC080] =	vst v63  }
0x7e: {  	_ = 	snop  }
0x7f: {  	[tilespmem:s13], [sflag:$0x1] =	stream.indirect_vreg.gather [hbm4b:s4+s2], $0x80, v3, vm0, $0xb8;
	[tilespmem:$0xC080] =	vst v63  }
0x80: {  	_ = 	snop  }
0x81: {  	[tilespmem:s14], [sflag:$0x1] =	stream.indirect_vreg.gather [hbm4b:s5+s2], $0x80, v3, vm0, $0xb8;
	[tilespmem:$0xC080] =	vst v63  }
0x82: {  	v3 =	vld [tilespmem:$0x10];
	_ =	sdelay $0x4  }
0x83: {  	v61 =	vshrl.u32 v3, $0x3  }
0x84: {  	v4 =	vmul.u32 $0x30, v61  }
0x85: {  	v3 =	vand.u32 $0x7, v3  }
0x86: {  	v3 =	vor.u32 v3, v4  }
0x87: {  	v4 =	vperm.xlane v3, v0;
	_ =	sdelay $0x1  }
0x88: {  	v4 =	vadd.s32 v1, v4;
	_ =	sdelay $0x3  }
0x89: {  	v3 =	vperm.xlane v3, v2  }
0x8a: {  	[tilespmem:s15], [sflag:$0x1] =	stream.indirect_vreg.gather [hbm4b:s3+s2], $0x80, v4, vm0, $0xb8;
	[tilespmem:$0xC080] =	vst v63  }
0x8b: {  	v3 =	vadd.s32 v1, v3  }
0x8c: {  	[tilespmem:s16], [sflag:$0x1] =	stream.indirect_vreg.gather [hbm4b:s4+s2], $0x80, v4, vm0, $0xb8;
	[tilespmem:$0xC080] =	vst v63  }
0x8d: {  	_ = 	snop  }
0x8e: {  	[tilespmem:s17], [sflag:$0x1] =	stream.indirect_vreg.gather [hbm4b:s5+s2], $0x80, v4, vm0, $0xb8;
	[tilespmem:$0xC080] =	vst v63  }
0x8f: {  	_ = 	snop  }
0x90: {  	[tilespmem:s18], [sflag:$0x1] =	stream.indirect_vreg.gather [hbm4b:s3+s2], $0x80, v3, vm0, $0xb8;
	[tilespmem:$0xC080] =	vst v63  }
0x91: {  	_ = 	snop  }
0x92: {  	[tilespmem:s19], [sflag:$0x1] =	stream.indirect_vreg.gather [hbm4b:s4+s2], $0x80, v3, vm0, $0xb8;
	[tilespmem:$0xC080] =	vst v63  }
0x93: {  	_ = 	snop  }
0x94: {  	[tilespmem:s20], [sflag:$0x1] =	stream.indirect_vreg.gather [hbm4b:s5+s2], $0x80, v3, vm0, $0xb8;
	[tilespmem:$0xC080] =	vst v63  }
0x95: {  	v3 =	vld [tilespmem:$0x20];
	_ =	sdelay $0x4  }
0x96: {  	v62 =	vshrl.u32 v3, $0x3  }
0x97: {  	v4 =	vmul.u32 $0x30, v62  }
0x98: {  	v3 =	vand.u32 $0x7, v3  }
0x99: {  	v3 =	vor.u32 v3, v4  }
0x9a: {  	v4 =	vperm.xlane v3, v0;
	_ =	sdelay $0x1  }
0x9b: {  	v4 =	vadd.s32 v1, v4;
	_ =	sdelay $0x3  }
0x9c: {  	v3 =	vperm.xlane v3, v2  }
0x9d: {  	[tilespmem:s21], [sflag:$0x1] =	stream.indirect_vreg.gather [hbm4b:s3+s2], $0x80, v4, vm0, $0xb8;
	[tilespmem:$0xC080] =	vst v63  }
0x9e: {  	v3 =	vadd.s32 v1, v3  }
0x9f: {  	[tilespmem:s22], [sflag:$0x1] =	stream.indirect_vreg.gather [hbm4b:s4+s2], $0x80, v4, vm0, $0xb8;
	[tilespmem:$0xC080] =	vst v63  }
0xa0: {  	_ = 	snop  }
0xa1: {  	[tilespmem:s23], [sflag:$0x1] =	stream.indirect_vreg.gather [hbm4b:s5+s2], $0x80, v4, vm0, $0xb8;
	[tilespmem:$0xC080] =	vst v63  }
0xa2: {  	_ = 	snop  }
0xa3: {  	[tilespmem:s24], [sflag:$0x1] =	stream.indirect_vreg.gather [hbm4b:s3+s2], $0x80, v3, vm0, $0xb8;
	[tilespmem:$0xC080] =	vst v63  }
0xa4: {  	_ = 	snop  }
0xa5: {  	[tilespmem:s25], [sflag:$0x1] =	stream.indirect_vreg.gather [hbm4b:s4+s2], $0x80, v3, vm0, $0xb8;
	[tilespmem:$0xC080] =	vst v63  }
0xa6: {  	_ = 	snop  }
0xa7: {  	[tilespmem:s26], [sflag:$0x1] =	stream.indirect_vreg.gather [hbm4b:s5+s2], $0x80, v3, vm0, $0xb8;
	[tilespmem:$0xC080] =	vst v63  }
0xa8: {  	v3 =	vld [tilespmem:$0x30];
	_ =	sdelay $0x4  }
0xa9: {  	v63 =	vshrl.u32 v3, $0x3  }
0xaa: {  	v4 =	vmul.u32 $0x30, v63  }
0xab: {  	v3 =	vand.u32 $0x7, v3  }
0xac: {  	v3 =	vor.u32 v3, v4  }
0xad: {  	v4 =	vperm.xlane v3, v0;
	_ =	sdelay $0x1  }
0xae: {  	v4 =	vadd.s32 v1, v4;
	_ =	sdelay $0x3  }
0xaf: {  	v3 =	vperm.xlane v3, v2  }
0xb0: {  	[tilespmem:s28], [sflag:$0x1] =	stream.indirect_vreg.gather [hbm4b:s3+s2], $0x80, v4, vm0, $0xb8;
	[tilespmem:$0xC080] =	vst v63  }
0xb1: {  	v3 =	vadd.s32 v1, v3  }
0xb2: {  	[tilespmem:s29], [sflag:$0x1] =	stream.indirect_vreg.gather [hbm4b:s4+s2], $0x80, v4, vm0, $0xb8;
	[tilespmem:$0xC080] =	vst v63  }
0xb3: {  	_ = 	snop  }
0xb4: {  	[tilespmem:s30], [sflag:$0x1] =	stream.indirect_vreg.gather [hbm4b:s5+s2], $0x80, v4, vm0, $0xb8;
	[tilespmem:$0xC080] =	vst v63  }
0xb5: {  	_ = 	snop  }
0xb6: {  	[tilespmem:s31], [sflag:$0x1] =	stream.indirect_vreg.gather [hbm4b:s3+s2], $0x80, v3, vm0, $0xb8;
	[tilespmem:$0xC080] =	vst v63  }
0xb7: {  	s9 =	simm.s32 $0xB080  }
0xb8: {  	[tilespmem:s9], [sflag:$0x1] =	stream.indirect_vreg.gather [hbm4b:s4+s2], $0x80, v3, vm0, $0xb8;
	[tilespmem:$0xC080] =	vst v63  }
0xb9: {  	_ = 	snop  }
0xba: {  	[tilespmem:s8], [sflag:$0x1] =	stream.indirect_vreg.gather [hbm4b:s5+s2], $0x80, v3, vm0, $0xb8;
	[tilespmem:$0xC080] =	vst v63  }
0xbb: {  	_ =	swait.ge [sflag:s0], $0xC000  }
0xbc: {  	p0 =	sne.s32 s6, $0x1;
	[sflag:s0] =	ssyncset.done $0x0  }
.Ltmp0:
0xbd: {  	s8 =	rddreg [dreg:$0x5];
	[sflag:s0] =	ssyncadd.s32 $0xFFFF4000;
	(pc) =	sbr.rel @p0 .LBB2_1-.Ltmp0, $4  }
0xbe: {  	[hbm4b:s8+s2] =	stream.linear.scatter [tilespmem:s1], [sflag:$0x2], $0xC000, $0x38;
	[tilespmem:$0xC080] =	vst v63  }
0xbf: {  	_ =	swait.ge [sflag:s7], $0xC000  }
0xc0: {  	[sflag:s7] =	ssyncset.done $0x0  }
0xc1: {  	s6 =	sadd.s32 $0xFFFFFFFF, s6;
	[sflag:s7] =	ssyncadd.s32 $0xFFFF4000  }
0xc2: {  	_ =	sfence.sel $0x180000  }
0xc3: {  	[bflag:$0x0] =	sbarrier.arrive $0xFFFF  }
0xc4: {  	_ =	strace $0x9000004A  }
0xc5: {  	s0 =	stileid.u32;
	[bflag:$0x2] =	sbarrier.arrive $0xFFFF  }
0xc6: {  	p0 =	sne.s32 s0, $0x0;
	s0 =	rddreg [dreg:$0x1]  }
0xc7: {  	s0 =	sadd.s32 @!p0 $0x100000, s0  }
0xc8: {  	[sflag:s0] =	ssyncadd.tile.s32 @!p0 $0x1;
	_ =	shalt  }
.Lfunc_end2:
_tile_overlayer_lowered:
.L_overlay_start_2:
0xc9: {  	(tag) =	ssettag $0x2  }
0xca: {  	s0 =	rddreg [dreg:$0x0];
	s2 =	stileid.u32  }
0xcb: {  	s1 =	rddreg [dreg:$0x1];
	p0 =	sne.s32 s2, $0x0  }
0xcc: {  	s3 =	rddreg [dreg:$0x2];
	[bflag:$0x3] =	sbarrier.arrive $0xFFFF;
	s2 =	simm.s32 @!p0 $0x1C02  }
0xcd: {  	[timem:s3], [sflag:s2] =	dma.local @!p0 [hbm:s0], s1  }
0xce: {  	s0 =	simm.s32 @!p0 $0x2  }
0xcf: {  	_ =	swait.ge @!p0 [sflag:s0], s1  }
0xd0: {  	s1 =	ssub.s32 @!p0 $0x0, s1;
	[sflag:s0] =	ssyncset.done @!p0 $0x0  }
0xd1: {  	[sflag:s0] =	ssyncadd.s32 @!p0 s1  }
0xd2: {  	[bflag:$0x3] =	sbarrier.arrive $0xFFFF  }
0xd3: {  	_ =	shalt  }

// kernel: kernel.9.cloned.1.call-start
scs
__scs_entry_jumppad:
0x0: {  	(pc) =	sbr.rel $0x88, $3  }
0x1: {  	(tag) =	ssettag $0x0;
	lr =	simm.s32 $0x1  }
0x2: {  	[smem:$0x3F96] =	sst lr;
	_ =	strace $0xD0000000  }
0x3: {  	_ = 	snop  }
0x4: {  	_ = 	snop  }
0x5: {  	_ = 	snop  }
0x6: {  	_ = 	snop  }
0x7: {  	_ = 	snop  }
__scs_overlays_trampoline_lowered:
0x8: {  	[smem:$0x3FA5] =	sst s0  }
0x9: {  	[smem:$0x3FA6] =	sst s1  }
0xa: {  	[smem:$0x3FA7] =	sst s2  }
0xb: {  	[smem:$0x3FA8] =	sst s3  }
0xc: {  	[smem:$0x3FA9] =	sst s4  }
0xd: {  	[smem:$0x3FAA] =	sst s5  }
0xe: {  	[smem:$0x3FAB] =	sst s6  }
0xf: {  	[smem:$0x3FAC] =	sst s7  }
0x10: {  	[smem:$0x3FAD] =	sst s8  }
0x11: {  	[smem:$0x3FAE] =	sst s9;
	s0 =	simm.s32 @!p0 $0x0  }
0x12: {  	s1 =	sld [smem:$0x3F94];
	s0 =	simm.s32 @p0 $0x1  }
0x13: {  	[smem:$0x3FAF] =	sst s0;
	s0 =	simm.s32 @!p1 $0x0  }
0x14: {  	s2 =	sld [smem:$0x3F93];
	s0 =	simm.s32 @p1 $0x1  }
0x15: {  	[smem:$0x3FB0] =	sst s0;
	s0 =	simm.s32 @!p2 $0x0  }
0x16: {  	s3 =	sld [smem:$0x3FDB];
	s0 =	simm.s32 @p2 $0x1  }
0x17: {  	s4 =	simm.s32 $0x1BF5;
	[smem:$0x3FB2] =	sst s0  }
0x18: {  	s0 =	sld [smem:$0x3F95];
	_ =	swait.ge [sflag:s4], $0x0  }
0x19: {  	s7 =	sld [smem:$0x3F96]  }
0x1a: {  	s8 =	sadd.s32 $0xFFFFE003, lr  }
0x1b: {  	s9 =	sadd.s32 $0xFFFFFEF7, lr;
	s5 =	simm.s32 $0xFFFFFFFF;
	p2 =	slt.u32 s8, $0xFFFFF086  }
0x1c: {  	p1 =	slt.u32 s9, $0xF7A;
	s5 =	simm.s32 @!p2 $0x0  }
0x1d: {  	s5 =	simm.s32 @p1 $0x1;
	p0 =	seq.s32 s7, s2  }
0x1e: {  	s7 =	smul.u32 @!p0 $0xF7A, s2;
	p2 =	seq.s32 @!p0 s5, $0x0  }
0x1f: {  	s9 =	smul.u32 $0xF7A, s1;
	s8 =	simm.s32 @!p0 $0x1BF5;
	p2 =	por !p2, p0  }
0x20: {  	[sflag:s8] =	ssyncset.s32 @!p0 $0xFFFFF086;
	s6 =	sadd.s32 @!p0 s3, s7;
	s7 =	simm.s32 @!p0 $0x108  }
0x21: {  	s3 =	sadd.s32 s3, s9;
	s6 =	sadd.s32 @!p0 $0x88, s6;
	s7 =	simm.s32 @p2 $0x1082  }
0x22: {  	[simem:s7], [sflag:s8] =	dma.local @!p0 [hbm:s6], $0xF7A  }
0x23: {  	s9 =	sor.u32 $0xD0000000, s2;
	s6 =	simm.s32 $0x108;
	_ =	swait.ge @!p0 [sflag:s8], $0x0  }
0x24: {  	s3 =	sadd.s32 $0x88, s3;
	s6 =	simm.s32 @!p1 $0x1082;
	[sflag:s4] =	ssyncset.s32 $0xFFFFF086  }
0x25: {  	[simem:s6], [sflag:s4] =	dma.local [hbm:s3], $0xF7A  }
0x26: {  	[smem:$0x3F96] =	sst s1;
	(tag) =	ssettag s2;
	_ =	strace s9  }
0x27: {  	s1 =	sld [smem:$0x3FA6]  }
0x28: {  	s2 =	sld [smem:$0x3FA7]  }
0x29: {  	s4 =	sld [smem:$0x3FA9]  }
0x2a: {  	p0 =	seq.s32 s5, $0x0;
	s5 =	sld [smem:$0x3FAA]  }
0x2b: {  	s6 =	sld [smem:$0x3FAB]  }
0x2c: {  	s7 =	sld [smem:$0x3FAC]  }
0x2d: {  	s3 =	simm.s32 $0x108;
	s8 =	sld [smem:$0x3FAD]  }
0x2e: {  	s3 =	simm.s32 @!p0 $0x1082;
	s9 =	sld [smem:$0x3FAE]  }
0x2f: {  	lr =	sadd.s32 s0, s3;
	s0 =	sld [smem:$0x3FA5]  }
0x30: {  	s3 =	sld [smem:$0x3FA8]  }
0x31: {  	[smem:$0x3FB1] =	sst s10  }
0x32: {  	s10 =	sld [smem:$0x3FAF];
	_ =	sdelay $0x3  }
0x33: {  	p0 =	seq.s32 s10, $0x1;
	s10 =	sld [smem:$0x3FB1];
	_ =	sdelay $0x3  }
0x34: {  	[smem:$0x3FB1] =	sst s10  }
0x35: {  	s10 =	sld [smem:$0x3FB0];
	_ =	sdelay $0x3  }
0x36: {  	p1 =	seq.s32 s10, $0x1;
	s10 =	sld [smem:$0x3FB1];
	_ =	sdelay $0x3  }
0x37: {  	[smem:$0x3FB1] =	sst s10  }
0x38: {  	s10 =	sld [smem:$0x3FB2]  }
0x39: {  	_ = 	snop;
	(pc) =	sbr.ind lr, $3  }
0x3a: {  	_ = 	snop  }
0x3b: {  	_ = 	snop  }
0x3c: {  	p2 =	seq.s32 s10, $0x1;
	s10 =	sld [smem:$0x3FB1]  }
0x3d: {  	_ =	shalt  }
0x3e: {  	_ =	shalt  }
0x3f: {  	_ =	shalt  }
0x40: {  	_ =	shalt  }
0x41: {  	_ =	shalt  }
0x42: {  	_ =	shalt  }
0x43: {  	_ =	shalt  }
0x44: {  	_ =	shalt  }
0x45: {  	_ =	shalt  }
0x46: {  	_ =	shalt  }
0x47: {  	_ =	shalt  }
0x48: {  	_ =	shalt  }
0x49: {  	_ =	shalt  }
0x4a: {  	_ =	shalt  }
0x4b: {  	_ =	shalt  }
0x4c: {  	_ =	shalt  }
0x4d: {  	_ =	shalt  }
0x4e: {  	_ =	shalt  }
0x4f: {  	_ =	shalt  }
0x50: {  	_ =	shalt  }
0x51: {  	_ =	shalt  }
0x52: {  	_ =	shalt  }
0x53: {  	_ =	shalt  }
0x54: {  	_ =	shalt  }
0x55: {  	_ =	shalt  }
0x56: {  	_ =	shalt  }
0x57: {  	_ =	shalt  }
0x58: {  	_ =	shalt  }
0x59: {  	_ =	shalt  }
0x5a: {  	_ =	shalt  }
0x5b: {  	_ =	shalt  }
0x5c: {  	_ =	shalt  }
0x5d: {  	_ =	shalt  }
0x5e: {  	_ =	shalt  }
0x5f: {  	_ =	shalt  }
0x60: {  	_ =	shalt  }
0x61: {  	_ =	shalt  }
0x62: {  	_ =	shalt  }
0x63: {  	_ =	shalt  }
0x64: {  	_ =	shalt  }
0x65: {  	_ =	shalt  }
0x66: {  	_ =	shalt  }
0x67: {  	_ =	shalt  }
0x68: {  	_ =	shalt  }
0x69: {  	_ =	shalt  }
0x6a: {  	_ =	shalt  }
0x6b: {  	_ =	shalt  }
0x6c: {  	_ =	shalt  }
0x6d: {  	_ =	shalt  }
0x6e: {  	_ =	shalt  }
0x6f: {  	_ =	shalt  }
0x70: {  	_ =	shalt  }
0x71: {  	_ =	shalt  }
0x72: {  	_ =	shalt  }
0x73: {  	_ =	shalt  }
0x74: {  	_ =	shalt  }
0x75: {  	_ =	shalt  }
0x76: {  	_ =	shalt  }
0x77: {  	_ =	shalt  }
0x78: {  	_ =	shalt  }
0x79: {  	_ =	shalt  }
0x7a: {  	_ =	shalt  }
0x7b: {  	_ =	shalt  }
0x7c: {  	_ =	shalt  }
0x7d: {  	_ =	shalt  }
0x7e: {  	_ =	shalt  }
0x7f: {  	_ =	shalt  }
0x80: {  	_ =	shalt  }
0x81: {  	_ =	shalt  }
0x82: {  	_ =	shalt  }
0x83: {  	_ =	shalt  }
0x84: {  	_ =	shalt  }
0x85: {  	_ =	shalt  }
0x86: {  	_ =	shalt  }
0x87: {  	_ =	shalt  }
.Lfunc_end0:
.L_simem_size_0:
called_computation_lowered:
.L_overlay_start_0:
0x88: {  	s2 =	sld [smem:$0x3FD9]  }
0x89: {  	s3 =	sld [smem:$0x3FFE];
	_ =	sdelay $0x1  }
0x8a: {  	s1 =	srdreg.scid  }
0x8b: {  	s0 =	sand.u32 $0x1, s1  }
0x8c: {  	s16 =	sshll.u32 s0, $0xA;
	s2 =	sadd.s32 s3, s2  }
0x8d: {  	s2 =	sadd.s32 s2, s16  }
0x8e: {  	[smem:$0x3FBD] =	sst s2  }
0x8f: {  	_ = 	snop  }
0x90: {  	(tm) =	ssettm $0x1  }
0x91: {  	s17 =	sld [smem:$0x3FFB];
	_ =	sdelay $0x3  }
0x92: {  	_ =	strace s17  }
0x93: {  	s2 =	sld [smem:$0x3FFC];
	_ =	sdelay $0x3  }
0x94: {  	_ =	strace s2  }
0x95: {  	s2 =	sld [smem:$0x3FFD];
	_ =	sdelay $0x3  }
0x96: {  	_ =	strace s2  }
0x97: {  	_ =	strace $0x8FFFFFFF  }
0x98: {  	s18 =	sld [smem:$0x3FDB];
	_ =	sdelay $0x1  }
0x99: {  	s19 =	simm.s32 $_scs_section_size  }
0x9a: {  	s4 =	simm.s32 $_size__tile_overlayer_lowered;
	s5 =	simm.s32 $_tile_overlayer_lowered  }
0x9b: {  	s22 =	simm.s32 $0x1BFF;
	s21 =	sshll.u32 s5, $0x1;
	s2 =	sadd.s32 s19, s18  }
0x9c: {  	s6 =	simm.s32 $0x0;
	s20 =	sshll.u32 s4, $0x1;
	s4 =	sadd.s32 s21, s2  }
0x9d: {  	[timem:s6], [sflag:s22] =	dma.local [hbm:s4], s20  }
0x9e: {  	_ =	swait.ge [sflag:s22], s20  }
0x9f: {  	s3 =	ssub.s32 $0x0, s20;
	[sflag:s22] =	ssyncset.done $0x0  }
0xa0: {  	[sflag:s22] =	ssyncadd.s32 s3;
	_ =	sdelay $0x1  }
0xa1: {  	s23 =	simm.s32 $0x1B8B  }
0xa2: {  	_ =	swait.ge [sflag:s23], $0x1  }
0xa3: {  	[sflag:s23] =	ssyncset.done $0x0  }
0xa4: {  	s25 =	simm.s32 $0x1B8E;
	s24 =	sld [smem:$0x3FFE];
	[sflag:s23] =	ssyncadd.s32 $0xFFFFFFFF  }
0xa5: {  	s26 =	simm.s32 $execute0_lowered;
	[smem:$0x3FD2] =	sst s25  }
0xa6: {  	s4 =	sshll.u32 s26, $0x1;
	_ =	strace $0x80000046;
	[dreg:$0x1] =	wrdreg $0xFFFFFFFF  }
0xa7: {  	s28 =	simm.s32 $_size_execute0_lowered;
	s2 =	sadd.s32 s2, s4;
	[dreg:$0x0] =	wrdreg $0x0  }
0xa8: {  	s4 =	sshll.u32 s28, $0x1;
	[dreg:$0x2] =	wrdreg s2  }
0xa9: {  	[dreg:$0x3] =	wrdreg s4  }
0xaa: {  	[dreg:$0x4] =	wrdreg $0xC0  }
0xab: {  	_ =	task [dreg:s6], $0x5FFFF  }
0xac: {  	[dreg:$0x1] =	wrdreg $0xFFFFFFFF  }
0xad: {  	[dreg:$0x0] =	wrdreg $0x60  }
0xae: {  	[dreg:$0x2] =	wrdreg s24  }
0xaf: {  	[dreg:$0x3] =	wrdreg $0x9  }
0xb0: {  	_ =	task.clear_ibuf [dreg:s6], $0x4FFFF;
	_ =	strace $0x90000046  }
0xb1: {  	s29 =	simm.s32 $0x9;
	_ =	strace $0x80000048  }
0xb2: {  	_ =	swait.ge [sflag:s29], $0x1  }
0xb3: {  	[sflag:s29] =	ssyncadd.s32 $0xFFFFFFFF  }
0xb4: {  	_ =	strace $0x90000048  }
0xb5: {  	_ =	sfence  }
0xb6: {  	s30 =	sld [smem:$0x0];
	_ =	sdelay $0x2  }
0xb7: {  	s31 =	sshll.u32 s1, $0xD;
	s1 =	sshrl.u32 s1, $0x2  }
0xb8: {  	s3 =	sand.u32 $0x4000, s31;
	s1 =	sadd.s32 s1, s30  }
0xb9: {  	s0 =	sor.u32 s3, s0;
	s1 =	sshll.u32 s1, $0x11  }
0xba: {  	s0 =	sor.u32 s1, s0  }
0xbb: {  	s0 =	sadd.s32 $0x8F2B, s0  }
0xbc: {  	[sflag:s0] =	ssyncadd.remote.s32 $0x1  }
0xbd: {  	_ =	sfence.sel $0xFFFF  }
0xbe: {  	[dreg:$0x0] =	wrdreg $0xFFFFFFFF;
	(pc) =	sbr.abs _section_cstart, $3  }
0xbf: {  	[dreg:$0x1] =	wrdreg $0xFFFFFFFF  }
0xc0: {  	_ =	task.clear_ibuf [dreg:s6], $0x2FFFF;
	_ =	strace $0x9FFFFFFF  }
0xc1: {  	(tm) =	ssettm $0x7FFFFFFF  }
tec
execute0_lowered:
.L_overlay_start_1:
0x0: {  	(tag) =	ssettag $0x1  }
0x1: {  	s0 =	rddreg [dreg:$0x0];
	s1 =	srdreg.scid  }
0x2: {  	s3 =	stileid.u32;
	s2 =	simm.s32 $0x0;
	s26 =	simm.s32 $0x80  }
0x3: {  	s19 =	simm.s32 $0x1100;
	s20 =	simm.s32 $0x1900;
	s21 =	simm.s32 $0x2100  }
0x4: {  	s22 =	simm.s32 $0x2900;
	s23 =	simm.s32 $0x3100;
	s24 =	simm.s32 $0x3900  }
0x5: {  	s25 =	simm.s32 $0x4100;
	s28 =	simm.s32 $0x5100;
	s29 =	simm.s32 $0x5900  }
0x6: {  	s30 =	simm.s32 $0x6100;
	s31 =	simm.s32 $0x6900;
	s11 =	simm.s32 $0x8100  }
0x7: {  	s12 =	simm.s32 $0x8900;
	s13 =	simm.s32 $0x9100;
	s14 =	simm.s32 $0x9900  }
0x8: {  	s15 =	simm.s32 $0xA100;
	s16 =	simm.s32 $0xA900;
	s10 =	simm.s32 $0xB100  }
0x9: {  	s1 =	sand.u32 $0x1, s1;
	s3 =	sshll.u32 s3, $0x5;
	[smem:$0x7FF] =	sst s2  }
0xa: {  	s8 =	sadd.s32 $0x3B200, s0;
	s4 =	sshll.u32 s1, $0x4;
	_ =	strace $0x80000047  }
0xb: {  	s1 =	ssub.s32 $0x2, s1;
	[dreg:$0x4] =	wrdreg s26;
	s26 =	simm.s32 $0x4900  }
0xc: {  	s4 =	sor.u32 s4, s3;
	s3 =	sadd.s32 $0x2A00, s0;
	s7 =	sshrl.u32 s1, $0x1  }
0xd: {  	s5 =	sadd.s32 s4, s0;
	s4 =	sadd.s32 $0x3B000, s0;
	s1 =	ssub.s32 s1, s7  }
0xe: {  	v2 =	vlaneseq.u32;
	s7 =	sadd.s32 $0x3B100, s0;
	s6 =	sadd.s32 $0x2800, s5;
	s5 =	sadd.s32 $0x3AE00, s5  }
0xf: {  	vm0 =	vmmov $0xffff;
	v1 =	vshrl.u32 v2, $0x3;
	s9 =	smax.u32 s1, $0x1;
	s1 =	simm.s32 $0x7900;
	[dreg:$0x2] =	wrdreg s6  }
0x10: {  	v0 =	vand.u32 $0x7, v2;
	v2 =	vor.u32 $0x8, v2;
	v1 =	vmul.u32 $0x8, v1;
	[dreg:$0x3] =	wrdreg s5;
	s5 =	sadd.s32 $0x2B00, s0;
	s6 =	sadd.s32 $0x2C00, s0  }
.LBB2_1:
0x11: {  	s17 =	rddreg [dreg:$0x2];
	s0 =	simm.s32 $0x3  }
0x12: {  	[tilespmem:s2], [sflag:$0x3] =	stream.linear.gather [hbm4b:s17+s2], $0x80, $0x38;
	[tilespmem:$0x18100] =	vst v63  }
0x13: {  	_ =	swait.ge [sflag:s0], $0x80  }
0x14: {  	s17 =	rddreg [dreg:$0x3];
	[sflag:s0] =	ssyncset.done $0x0  }
0x15: {  	s18 =	rddreg [dreg:$0x4];
	[sflag:s0] =	ssyncadd.s32 $0xFFFFFF80  }
0x16: {  	[tilespmem:s18], [sflag:$0x3] =	stream.linear.gather [hbm4b:s17+s2], $0x80, $0x38;
	[tilespmem:$0x18100] =	vst v63  }
0x17: {  	_ =	swait.ge [sflag:s0], $0x80  }
0x18: {  	[sflag:s0] =	ssyncset.done $0x0  }
0x19: {  	[sflag:s0] =	ssyncadd.s32 $0xFFFFFF80  }
0x1a: {  	v3 =	vld [tilespmem:$0x0];
	_ =	sdelay $0x4  }
0x1b: {  	v4 =	vshrl.u32 v3, $0x3  }
0x1c: {  	v4 =	vmul.u32 $0x30, v4  }
0x1d: {  	v3 =	vand.u32 $0x7, v3  }
0x1e: {  	v3 =	vor.u32 v3, v4  }
0x1f: {  	v4 =	vperm.xlane v3, v0;
	_ =	sdelay $0x1  }
0x20: {  	v4 =	vadd.s32 v1, v4;
	_ =	sdelay $0x3  }
0x21: {  	s17 =	simm.s32 $0x100;
	v3 =	vperm.xlane v3, v2  }
0x22: {  	[tilespmem:s17], [sflag:$0x1] =	stream.indirect_vreg.gather [hbm4b:s3+s2], $0x80, v4, vm0, $0xb8;
	[tilespmem:$0x18100] =	vst v63  }
0x23: {  	s18 =	simm.s32 $0x900;
	v3 =	vadd.s32 v1, v3  }
0x24: {  	[tilespmem:s18], [sflag:$0x1] =	stream.indirect_vreg.gather [hbm4b:s5+s2], $0x80, v4, vm0, $0xb8;
	[tilespmem:$0x18100] =	vst v63  }
0x25: {  	_ = 	snop  }
0x26: {  	[tilespmem:s19], [sflag:$0x1] =	stream.indirect_vreg.gather [hbm4b:s6+s2], $0x80, v4, vm0, $0xb8;
	[tilespmem:$0x18100] =	vst v63  }
0x27: {  	_ = 	snop  }
0x28: {  	[tilespmem:s20], [sflag:$0x1] =	stream.indirect_vreg.gather [hbm4b:s3+s2], $0x80, v3, vm0, $0xb8;
	[tilespmem:$0x18100] =	vst v63  }
0x29: {  	_ = 	snop  }
0x2a: {  	[tilespmem:s21], [sflag:$0x1] =	stream.indirect_vreg.gather [hbm4b:s5+s2], $0x80, v3, vm0, $0xb8;
	[tilespmem:$0x18100] =	vst v63  }
0x2b: {  	_ = 	snop  }
0x2c: {  	[tilespmem:s22], [sflag:$0x1] =	stream.indirect_vreg.gather [hbm4b:s6+s2], $0x80, v3, vm0, $0xb8;
	[tilespmem:$0x18100] =	vst v63  }
0x2d: {  	v3 =	vld [tilespmem:$0x10];
	_ =	sdelay $0x4  }
0x2e: {  	v49 =	vshrl.u32 v3, $0x3  }
0x2f: {  	v4 =	vmul.u32 $0x30, v49  }
0x30: {  	v3 =	vand.u32 $0x7, v3  }
0x31: {  	v3 =	vor.u32 v3, v4  }
0x32: {  	v4 =	vperm.xlane v3, v0;
	_ =	sdelay $0x1  }
0x33: {  	v4 =	vadd.s32 v1, v4;
	_ =	sdelay $0x3  }
0x34: {  	v3 =	vperm.xlane v3, v2  }
0x35: {  	[tilespmem:s23], [sflag:$0x1] =	stream.indirect_vreg.gather [hbm4b:s3+s2], $0x80, v4, vm0, $0xb8;
	[tilespmem:$0x18100] =	vst v63  }
0x36: {  	v3 =	vadd.s32 v1, v3  }
0x37: {  	[tilespmem:s24], [sflag:$0x1] =	stream.indirect_vreg.gather [hbm4b:s5+s2], $0x80, v4, vm0, $0xb8;
	[tilespmem:$0x18100] =	vst v63  }
0x38: {  	_ = 	snop  }
0x39: {  	[tilespmem:s25], [sflag:$0x1] =	stream.indirect_vreg.gather [hbm4b:s6+s2], $0x80, v4, vm0, $0xb8;
	[tilespmem:$0x18100] =	vst v63  }
0x3a: {  	_ = 	snop  }
0x3b: {  	[tilespmem:s26], [sflag:$0x1] =	stream.indirect_vreg.gather [hbm4b:s3+s2], $0x80, v3, vm0, $0xb8;
	[tilespmem:$0x18100] =	vst v63  }
0x3c: {  	_ = 	snop  }
0x3d: {  	[tilespmem:s28], [sflag:$0x1] =	stream.indirect_vreg.gather [hbm4b:s5+s2], $0x80, v3, vm0, $0xb8;
	[tilespmem:$0x18100] =	vst v63  }
0x3e: {  	_ = 	snop  }
0x3f: {  	[tilespmem:s29], [sflag:$0x1] =	stream.indirect_vreg.gather [hbm4b:s6+s2], $0x80, v3, vm0, $0xb8;
	[tilespmem:$0x18100] =	vst v63  }
0x40: {  	v3 =	vld [tilespmem:$0x20];
	_ =	sdelay $0x4  }
0x41: {  	v50 =	vshrl.u32 v3, $0x3  }
0x42: {  	v4 =	vmul.u32 $0x30, v50  }
0x43: {  	v3 =	vand.u32 $0x7, v3  }
0x44: {  	v3 =	vor.u32 v3, v4  }
0x45: {  	v4 =	vperm.xlane v3, v0;
	_ =	sdelay $0x1  }
0x46: {  	v4 =	vadd.s32 v1, v4;
	_ =	sdelay $0x3  }
0x47: {  	v3 =	vperm.xlane v3, v2  }
0x48: {  	[tilespmem:s30], [sflag:$0x1] =	stream.indirect_vreg.gather [hbm4b:s3+s2], $0x80, v4, vm0, $0xb8;
	[tilespmem:$0x18100] =	vst v63  }
0x49: {  	v3 =	vadd.s32 v1, v3  }
0x4a: {  	[tilespmem:s31], [sflag:$0x1] =	stream.indirect_vreg.gather [hbm4b:s5+s2], $0x80, v4, vm0, $0xb8;
	[tilespmem:$0x18100] =	vst v63  }
0x4b: {  	s0 =	simm.s32 $0x7100  }
0x4c: {  	[tilespmem:s0], [sflag:$0x1] =	stream.indirect_vreg.gather [hbm4b:s6+s2], $0x80, v4, vm0, $0xb8;
	[tilespmem:$0x18100] =	vst v63  }
0x4d: {  	_ = 	snop  }
0x4e: {  	[tilespmem:s1], [sflag:$0x1] =	stream.indirect_vreg.gather [hbm4b:s3+s2], $0x80, v3, vm0, $0xb8;
	[tilespmem:$0x18100] =	vst v63  }
0x4f: {  	_ = 	snop  }
0x50: {  	[tilespmem:s11], [sflag:$0x1] =	stream.indirect_vreg.gather [hbm4b:s5+s2], $0x80, v3, vm0, $0xb8;
	[tilespmem:$0x18100] =	vst v63  }
0x51: {  	_ = 	snop  }
0x52: {  	[tilespmem:s12], [sflag:$0x1] =	stream.indirect_vreg.gather [hbm4b:s6+s2], $0x80, v3, vm0, $0xb8;
	[tilespmem:$0x18100] =	vst v63  }
0x53: {  	v3 =	vld [tilespmem:$0x30];
	_ =	sdelay $0x4  }
0x54: {  	v51 =	vshrl.u32 v3, $0x3  }
0x55: {  	v4 =	vmul.u32 $0x30, v51  }
0x56: {  	v3 =	vand.u32 $0x7, v3  }
0x57: {  	v3 =	vor.u32 v3, v4  }
0x58: {  	v4 =	vperm.xlane v3, v0;
	_ =	sdelay $0x1  }
0x59: {  	v4 =	vadd.s32 v1, v4;
	_ =	sdelay $0x3  }
0x5a: {  	v3 =	vperm.xlane v3, v2  }
0x5b: {  	[tilespmem:s13], [sflag:$0x1] =	stream.indirect_vreg.gather [hbm4b:s3+s2], $0x80, v4, vm0, $0xb8;
	[tilespmem:$0x18100] =	vst v63  }
0x5c: {  	v3 =	vadd.s32 v1, v3  }
0x5d: {  	[tilespmem:s14], [sflag:$0x1] =	stream.indirect_vreg.gather [hbm4b:s5+s2], $0x80, v4, vm0, $0xb8;
	[tilespmem:$0x18100] =	vst v63  }
0x5e: {  	_ = 	snop  }
0x5f: {  	[tilespmem:s15], [sflag:$0x1] =	stream.indirect_vreg.gather [hbm4b:s6+s2], $0x80, v4, vm0, $0xb8;
	[tilespmem:$0x18100] =	vst v63  }
0x60: {  	_ = 	snop  }
0x61: {  	[tilespmem:s16], [sflag:$0x1] =	stream.indirect_vreg.gather [hbm4b:s3+s2], $0x80, v3, vm0, $0xb8;
	[tilespmem:$0x18100] =	vst v63  }
0x62: {  	_ = 	snop  }
0x63: {  	[tilespmem:s10], [sflag:$0x1] =	stream.indirect_vreg.gather [hbm4b:s5+s2], $0x80, v3, vm0, $0xb8;
	[tilespmem:$0x18100] =	vst v63  }
0x64: {  	s0 =	simm.s32 $0xB900  }
0x65: {  	[tilespmem:s0], [sflag:$0x1] =	stream.indirect_vreg.gather [hbm4b:s6+s2], $0x80, v3, vm0, $0xb8;
	[tilespmem:$0x18100] =	vst v63  }
0x66: {  	v3 =	vld [tilespmem:$0x40];
	_ =	sdelay $0x4  }
0x67: {  	v52 =	vshrl.u32 v3, $0x3  }
0x68: {  	v4 =	vmul.u32 $0x30, v52  }
0x69: {  	v3 =	vand.u32 $0x7, v3  }
0x6a: {  	v3 =	vor.u32 v3, v4  }
0x6b: {  	v4 =	vperm.xlane v3, v0;
	_ =	sdelay $0x1  }
0x6c: {  	v4 =	vadd.s32 v1, v4;
	_ =	sdelay $0x3  }
0x6d: {  	s0 =	simm.s32 $0xC100;
	v3 =	vperm.xlane v3, v2  }
0x6e: {  	[tilespmem:s0], [sflag:$0x1] =	stream.indirect_vreg.gather [hbm4b:s3+s2], $0x80, v4, vm0, $0xb8;
	[tilespmem:$0x18100] =	vst v63  }
0x6f: {  	v3 =	vadd.s32 v1, v3;
	s0 =	simm.s32 $0xC900  }
0x70: {  	[tilespmem:s0], [sflag:$0x1] =	stream.indirect_vreg.gather [hbm4b:s5+s2], $0x80, v4, vm0, $0xb8;
	[tilespmem:$0x18100] =	vst v63  }
0x71: {  	s0 =	simm.s32 $0xD100  }
0x72: {  	[tilespmem:s0], [sflag:$0x1] =	stream.indirect_vreg.gather [hbm4b:s6+s2], $0x80, v4, vm0, $0xb8;
	[tilespmem:$0x18100] =	vst v63  }
0x73: {  	s0 =	simm.s32 $0xD900  }
0x74: {  	[tilespmem:s0], [sflag:$0x1] =	stream.indirect_vreg.gather [hbm4b:s3+s2], $0x80, v3, vm0, $0xb8;
	[tilespmem:$0x18100] =	vst v63  }
0x75: {  	s0 =	simm.s32 $0xE100  }
0x76: {  	[tilespmem:s0], [sflag:$0x1] =	stream.indirect_vreg.gather [hbm4b:s5+s2], $0x80, v3, vm0, $0xb8;
	[tilespmem:$0x18100] =	vst v63  }
0x77: {  	s0 =	simm.s32 $0xE900  }
0x78: {  	[tilespmem:s0], [sflag:$0x1] =	stream.indirect_vreg.gather [hbm4b:s6+s2], $0x80, v3, vm0, $0xb8;
	[tilespmem:$0x18100] =	vst v63  }
0x79: {  	v3 =	vld [tilespmem:$0x50];
	_ =	sdelay $0x4  }
0x7a: {  	v53 =	vshrl.u32 v3, $0x3  }
0x7b: {  	v4 =	vmul.u32 $0x30, v53  }
0x7c: {  	v3 =	vand.u32 $0x7, v3  }
0x7d: {  	v3 =	vor.u32 v3, v4  }
0x7e: {  	v4 =	vperm.xlane v3, v0;
	_ =	sdelay $0x1  }
0x7f: {  	v4 =	vadd.s32 v1, v4;
	_ =	sdelay $0x3  }
0x80: {  	s0 =	simm.s32 $0xF100;
	v3 =	vperm.xlane v3, v2  }
0x81: {  	[tilespmem:s0], [sflag:$0x1] =	stream.indirect_vreg.gather [hbm4b:s3+s2], $0x80, v4, vm0, $0xb8;
	[tilespmem:$0x18100] =	vst v63  }
0x82: {  	v3 =	vadd.s32 v1, v3;
	s0 =	simm.s32 $0xF900  }
0x83: {  	[tilespmem:s0], [sflag:$0x1] =	stream.indirect_vreg.gather [hbm4b:s5+s2], $0x80, v4, vm0, $0xb8;
	[tilespmem:$0x18100] =	vst v63  }
0x84: {  	s0 =	simm.s32 $0x10100  }
0x85: {  	[tilespmem:s0], [sflag:$0x1] =	stream.indirect_vreg.gather [hbm4b:s6+s2], $0x80, v4, vm0, $0xb8;
	[tilespmem:$0x18100] =	vst v63  }
0x86: {  	s0 =	simm.s32 $0x10900  }
0x87: {  	[tilespmem:s0], [sflag:$0x1] =	stream.indirect_vreg.gather [hbm4b:s3+s2], $0x80, v3, vm0, $0xb8;
	[tilespmem:$0x18100] =	vst v63  }
0x88: {  	s0 =	simm.s32 $0x11100  }
0x89: {  	[tilespmem:s0], [sflag:$0x1] =	stream.indirect_vreg.gather [hbm4b:s5+s2], $0x80, v3, vm0, $0xb8;
	[tilespmem:$0x18100] =	vst v63  }
0x8a: {  	s0 =	simm.s32 $0x11900  }
0x8b: {  	[tilespmem:s0], [sflag:$0x1] =	stream.indirect_vreg.gather [hbm4b:s6+s2], $0x80, v3, vm0, $0xb8;
	[tilespmem:$0x18100] =	vst v63  }
0x8c: {  	v3 =	vld [tilespmem:$0x60];
	_ =	sdelay $0x4  }
0x8d: {  	v54 =	vshrl.u32 v3, $0x3  }
0x8e: {  	v4 =	vmul.u32 $0x30, v54  }
0x8f: {  	v3 =	vand.u32 $0x7, v3  }
0x90: {  	v3 =	vor.u32 v3, v4  }
0x91: {  	v4 =	vperm.xlane v3, v0;
	_ =	sdelay $0x1  }
0x92: {  	v4 =	vadd.s32 v1, v4;
	_ =	sdelay $0x3  }
0x93: {  	s0 =	simm.s32 $0x12100;
	v3 =	vperm.xlane v3, v2  }
0x94: {  	[tilespmem:s0], [sflag:$0x1] =	stream.indirect_vreg.gather [hbm4b:s3+s2], $0x80, v4, vm0, $0xb8;
	[tilespmem:$0x18100] =	vst v63  }
0x95: {  	v3 =	vadd.s32 v1, v3;
	s0 =	simm.s32 $0x12900  }
0x96: {  	[tilespmem:s0], [sflag:$0x1] =	stream.indirect_vreg.gather [hbm4b:s5+s2], $0x80, v4, vm0, $0xb8;
	[tilespmem:$0x18100] =	vst v63  }
0x97: {  	s0 =	simm.s32 $0x13100  }
0x98: {  	[tilespmem:s0], [sflag:$0x1] =	stream.indirect_vreg.gather [hbm4b:s6+s2], $0x80, v4, vm0, $0xb8;
	[tilespmem:$0x18100] =	vst v63  }
0x99: {  	s0 =	simm.s32 $0x13900  }
0x9a: {  	[tilespmem:s0], [sflag:$0x1] =	stream.indirect_vreg.gather [hbm4b:s3+s2], $0x80, v3, vm0, $0xb8;
	[tilespmem:$0x18100] =	vst v63  }
0x9b: {  	s0 =	simm.s32 $0x14100  }
0x9c: {  	[tilespmem:s0], [sflag:$0x1] =	stream.indirect_vreg.gather [hbm4b:s5+s2], $0x80, v3, vm0, $0xb8;
	[tilespmem:$0x18100] =	vst v63  }
0x9d: {  	s0 =	simm.s32 $0x14900  }
0x9e: {  	[tilespmem:s0], [sflag:$0x1] =	stream.indirect_vreg.gather [hbm4b:s6+s2], $0x80, v3, vm0, $0xb8;
	[tilespmem:$0x18100] =	vst v63  }
0x9f: {  	v3 =	vld [tilespmem:$0x70];
	_ =	sdelay $0x4  }
0xa0: {  	v55 =	vshrl.u32 v3, $0x3  }
0xa1: {  	v4 =	vmul.u32 $0x30, v55  }
0xa2: {  	v3 =	vand.u32 $0x7, v3  }
0xa3: {  	v3 =	vor.u32 v3, v4  }
0xa4: {  	v4 =	vperm.xlane v3, v0;
	_ =	sdelay $0x1  }
0xa5: {  	v4 =	vadd.s32 v1, v4;
	_ =	sdelay $0x3  }
0xa6: {  	s0 =	simm.s32 $0x15100;
	v3 =	vperm.xlane v3, v2  }
0xa7: {  	[tilespmem:s0], [sflag:$0x1] =	stream.indirect_vreg.gather [hbm4b:s3+s2], $0x80, v4, vm0, $0xb8;
	[tilespmem:$0x18100] =	vst v63  }
0xa8: {  	v3 =	vadd.s32 v1, v3;
	s0 =	simm.s32 $0x15900  }
0xa9: {  	[tilespmem:s0], [sflag:$0x1] =	stream.indirect_vreg.gather [hbm4b:s5+s2], $0x80, v4, vm0, $0xb8;
	[tilespmem:$0x18100] =	vst v63  }
0xaa: {  	s0 =	simm.s32 $0x16100  }
0xab: {  	[tilespmem:s0], [sflag:$0x1] =	stream.indirect_vreg.gather [hbm4b:s6+s2], $0x80, v4, vm0, $0xb8;
	[tilespmem:$0x18100] =	vst v63  }
0xac: {  	s0 =	simm.s32 $0x16900  }
0xad: {  	[tilespmem:s0], [sflag:$0x1] =	stream.indirect_vreg.gather [hbm4b:s3+s2], $0x80, v3, vm0, $0xb8;
	[tilespmem:$0x18100] =	vst v63  }
0xae: {  	s0 =	simm.s32 $0x17100  }
0xaf: {  	[tilespmem:s0], [sflag:$0x1] =	stream.indirect_vreg.gather [hbm4b:s5+s2], $0x80, v3, vm0, $0xb8;
	[tilespmem:$0x18100] =	vst v63  }
0xb0: {  	s0 =	simm.s32 $0x17900  }
0xb1: {  	[tilespmem:s0], [sflag:$0x1] =	stream.indirect_vreg.gather [hbm4b:s6+s2], $0x80, v3, vm0, $0xb8;
	[tilespmem:$0x18100] =	vst v63  }
0xb2: {  	s0 =	simm.s32 $0x1  }
0xb3: {  	_ =	swait.ge [sflag:s0], $0x18000  }
0xb4: {  	[sflag:s0] =	ssyncset.done $0x0  }
0xb5: {  	[sflag:s0] =	ssyncadd.s32 $0xFFFE8000  }
0xb6: {  	v3 =	vld [tilespmem:$0x80];
	_ =	sdelay $0x4  }
0xb7: {  	v56 =	vshrl.u32 v3, $0x3  }
0xb8: {  	v4 =	vmul.u32 $0x30, v56  }
0xb9: {  	v3 =	vand.u32 $0x7, v3  }
0xba: {  	v3 =	vor.u32 v3, v4  }
0xbb: {  	v4 =	vperm.xlane v3, v0;
	_ =	sdelay $0x1  }
0xbc: {  	v4 =	vadd.s32 v1, v4;
	_ =	sdelay $0x3  }
0xbd: {  	v3 =	vperm.xlane v3, v2  }
0xbe: {  	[hbm4b:s4+s2] =	stream.indirect_vreg.scatter [tilespmem:s17], [sflag:$0x2], $0x80, v4, vm0, $0xb8;
	[tilespmem:$0x18100] =	vst v63  }
0xbf: {  	v3 =	vadd.s32 v1, v3  }
0xc0: {  	[hbm4b:s7+s2] =	stream.indirect_vreg.scatter [tilespmem:s18], [sflag:$0x2], $0x80, v4, vm0, $0xb8;
	[tilespmem:$0x18100] =	vst v63  }
0xc1: {  	_ = 	snop  }
0xc2: {  	[hbm4b:s8+s2] =	stream.indirect_vreg.scatter [tilespmem:s19], [sflag:$0x2], $0x80, v4, vm0, $0xb8;
	[tilespmem:$0x18100] =	vst v63  }
0xc3: {  	_ = 	snop  }
0xc4: {  	[hbm4b:s4+s2] =	stream.indirect_vreg.scatter [tilespmem:s20], [sflag:$0x2], $0x80, v3, vm0, $0xb8;
	[tilespmem:$0x18100] =	vst v63  }
0xc5: {  	_ = 	snop  }
0xc6: {  	[hbm4b:s7+s2] =	stream.indirect_vreg.scatter [tilespmem:s21], [sflag:$0x2], $0x80, v3, vm0, $0xb8;
	[tilespmem:$0x18100] =	vst v63  }
0xc7: {  	_ = 	snop  }
0xc8: {  	[hbm4b:s8+s2] =	stream.indirect_vreg.scatter [tilespmem:s22], [sflag:$0x2], $0x80, v3, vm0, $0xb8;
	[tilespmem:$0x18100] =	vst v63  }
0xc9: {  	v3 =	vld [tilespmem:$0x90];
	_ =	sdelay $0x4  }
0xca: {  	v57 =	vshrl.u32 v3, $0x3  }
0xcb: {  	v4 =	vmul.u32 $0x30, v57  }
0xcc: {  	v3 =	vand.u32 $0x7, v3  }
0xcd: {  	v3 =	vor.u32 v3, v4  }
0xce: {  	v4 =	vperm.xlane v3, v0;
	_ =	sdelay $0x1  }
0xcf: {  	v4 =	vadd.s32 v1, v4;
	_ =	sdelay $0x3  }
0xd0: {  	v3 =	vperm.xlane v3, v2  }
0xd1: {  	[hbm4b:s4+s2] =	stream.indirect_vreg.scatter [tilespmem:s23], [sflag:$0x2], $0x80, v4, vm0, $0xb8;
	[tilespmem:$0x18100] =	vst v63  }
0xd2: {  	v3 =	vadd.s32 v1, v3  }
0xd3: {  	[hbm4b:s7+s2] =	stream.indirect_vreg.scatter [tilespmem:s24], [sflag:$0x2], $0x80, v4, vm0, $0xb8;
	[tilespmem:$0x18100] =	vst v63  }
0xd4: {  	_ = 	snop  }
0xd5: {  	[hbm4b:s8+s2] =	stream.indirect_vreg.scatter [tilespmem:s25], [sflag:$0x2], $0x80, v4, vm0, $0xb8;
	[tilespmem:$0x18100] =	vst v63  }
0xd6: {  	_ = 	snop  }
0xd7: {  	[hbm4b:s4+s2] =	stream.indirect_vreg.scatter [tilespmem:s26], [sflag:$0x2], $0x80, v3, vm0, $0xb8;
	[tilespmem:$0x18100] =	vst v63  }
0xd8: {  	_ = 	snop  }
0xd9: {  	[hbm4b:s7+s2] =	stream.indirect_vreg.scatter [tilespmem:s28], [sflag:$0x2], $0x80, v3, vm0, $0xb8;
	[tilespmem:$0x18100] =	vst v63  }
0xda: {  	_ = 	snop  }
0xdb: {  	[hbm4b:s8+s2] =	stream.indirect_vreg.scatter [tilespmem:s29], [sflag:$0x2], $0x80, v3, vm0, $0xb8;
	[tilespmem:$0x18100] =	vst v63  }
0xdc: {  	v3 =	vld [tilespmem:$0xA0];
	_ =	sdelay $0x4  }
0xdd: {  	v58 =	vshrl.u32 v3, $0x3  }
0xde: {  	v4 =	vmul.u32 $0x30, v58  }
0xdf: {  	v3 =	vand.u32 $0x7, v3  }
0xe0: {  	v3 =	vor.u32 v3, v4  }
0xe1: {  	v4 =	vperm.xlane v3, v0;
	_ =	sdelay $0x1  }
0xe2: {  	v4 =	vadd.s32 v1, v4;
	_ =	sdelay $0x3  }
0xe3: {  	v3 =	vperm.xlane v3, v2  }
0xe4: {  	[hbm4b:s4+s2] =	stream.indirect_vreg.scatter [tilespmem:s30], [sflag:$0x2], $0x80, v4, vm0, $0xb8;
	[tilespmem:$0x18100] =	vst v63  }
0xe5: {  	v3 =	vadd.s32 v1, v3  }
0xe6: {  	[hbm4b:s7+s2] =	stream.indirect_vreg.scatter [tilespmem:s31], [sflag:$0x2], $0x80, v4, vm0, $0xb8;
	[tilespmem:$0x18100] =	vst v63  }
0xe7: {  	s18 =	simm.s32 $0x7100  }
0xe8: {  	[hbm4b:s8+s2] =	stream.indirect_vreg.scatter [tilespmem:s18], [sflag:$0x2], $0x80, v4, vm0, $0xb8;
	[tilespmem:$0x18100] =	vst v63  }
0xe9: {  	_ = 	snop  }
0xea: {  	[hbm4b:s4+s2] =	stream.indirect_vreg.scatter [tilespmem:s1], [sflag:$0x2], $0x80, v3, vm0, $0xb8;
	[tilespmem:$0x18100] =	vst v63  }
0xeb: {  	_ = 	snop  }
0xec: {  	[hbm4b:s7+s2] =	stream.indirect_vreg.scatter [tilespmem:s11], [sflag:$0x2], $0x80, v3, vm0, $0xb8;
	[tilespmem:$0x18100] =	vst v63  }
0xed: {  	_ = 	snop  }
0xee: {  	[hbm4b:s8+s2] =	stream.indirect_vreg.scatter [tilespmem:s12], [sflag:$0x2], $0x80, v3, vm0, $0xb8;
	[tilespmem:$0x18100] =	vst v63  }
0xef: {  	v3 =	vld [tilespmem:$0xB0];
	_ =	sdelay $0x4  }
0xf0: {  	v59 =	vshrl.u32 v3, $0x3  }
0xf1: {  	v4 =	vmul.u32 $0x30, v59  }
0xf2: {  	v3 =	vand.u32 $0x7, v3  }
0xf3: {  	v3 =	vor.u32 v3, v4  }
0xf4: {  	v4 =	vperm.xlane v3, v0;
	_ =	sdelay $0x1  }
0xf5: {  	v4 =	vadd.s32 v1, v4;
	_ =	sdelay $0x3  }
0xf6: {  	v3 =	vperm.xlane v3, v2  }
0xf7: {  	[hbm4b:s4+s2] =	stream.indirect_vreg.scatter [tilespmem:s13], [sflag:$0x2], $0x80, v4, vm0, $0xb8;
	[tilespmem:$0x18100] =	vst v63  }
0xf8: {  	v3 =	vadd.s32 v1, v3  }
0xf9: {  	[hbm4b:s7+s2] =	stream.indirect_vreg.scatter [tilespmem:s14], [sflag:$0x2], $0x80, v4, vm0, $0xb8;
	[tilespmem:$0x18100] =	vst v63  }
0xfa: {  	_ = 	snop  }
0xfb: {  	[hbm4b:s8+s2] =	stream.indirect_vreg.scatter [tilespmem:s15], [sflag:$0x2], $0x80, v4, vm0, $0xb8;
	[tilespmem:$0x18100] =	vst v63  }
0xfc: {  	_ = 	snop  }
0xfd: {  	[hbm4b:s4+s2] =	stream.indirect_vreg.scatter [tilespmem:s16], [sflag:$0x2], $0x80, v3, vm0, $0xb8;
	[tilespmem:$0x18100] =	vst v63  }
0xfe: {  	_ = 	snop  }
0xff: {  	[hbm4b:s7+s2] =	stream.indirect_vreg.scatter [tilespmem:s10], [sflag:$0x2], $0x80, v3, vm0, $0xb8;
	[tilespmem:$0x18100] =	vst v63  }
0x100: {  	s17 =	simm.s32 $0xB900  }
0x101: {  	[hbm4b:s8+s2] =	stream.indirect_vreg.scatter [tilespmem:s17], [sflag:$0x2], $0x80, v3, vm0, $0xb8;
	[tilespmem:$0x18100] =	vst v63  }
0x102: {  	v3 =	vld [tilespmem:$0xC0];
	_ =	sdelay $0x4  }
0x103: {  	v60 =	vshrl.u32 v3, $0x3  }
0x104: {  	v4 =	vmul.u32 $0x30, v60  }
0x105: {  	v3 =	vand.u32 $0x7, v3  }
0x106: {  	v3 =	vor.u32 v3, v4  }
0x107: {  	v4 =	vperm.xlane v3, v0;
	_ =	sdelay $0x1  }
0x108: {  	v4 =	vadd.s32 v1, v4;
	_ =	sdelay $0x3  }
0x109: {  	s18 =	simm.s32 $0xC100;
	v3 =	vperm.xlane v3, v2  }
0x10a: {  	[hbm4b:s4+s2] =	stream.indirect_vreg.scatter [tilespmem:s18], [sflag:$0x2], $0x80, v4, vm0, $0xb8;
	[tilespmem:$0x18100] =	vst v63  }
0x10b: {  	s17 =	simm.s32 $0xC900;
	v3 =	vadd.s32 v1, v3  }
0x10c: {  	[hbm4b:s7+s2] =	stream.indirect_vreg.scatter [tilespmem:s17], [sflag:$0x2], $0x80, v4, vm0, $0xb8;
	[tilespmem:$0x18100] =	vst v63  }
0x10d: {  	s18 =	simm.s32 $0xD100  }
0x10e: {  	[hbm4b:s8+s2] =	stream.indirect_vreg.scatter [tilespmem:s18], [sflag:$0x2], $0x80, v4, vm0, $0xb8;
	[tilespmem:$0x18100] =	vst v63  }
0x10f: {  	s17 =	simm.s32 $0xD900  }
0x110: {  	[hbm4b:s4+s2] =	stream.indirect_vreg.scatter [tilespmem:s17], [sflag:$0x2], $0x80, v3, vm0, $0xb8;
	[tilespmem:$0x18100] =	vst v63  }
0x111: {  	s18 =	simm.s32 $0xE100  }
0x112: {  	[hbm4b:s7+s2] =	stream.indirect_vreg.scatter [tilespmem:s18], [sflag:$0x2], $0x80, v3, vm0, $0xb8;
	[tilespmem:$0x18100] =	vst v63  }
0x113: {  	s17 =	simm.s32 $0xE900  }
0x114: {  	[hbm4b:s8+s2] =	stream.indirect_vreg.scatter [tilespmem:s17], [sflag:$0x2], $0x80, v3, vm0, $0xb8;
	[tilespmem:$0x18100] =	vst v63  }
0x115: {  	v3 =	vld [tilespmem:$0xD0];
	_ =	sdelay $0x4  }
0x116: {  	v61 =	vshrl.u32 v3, $0x3  }
0x117: {  	v4 =	vmul.u32 $0x30, v61  }
0x118: {  	v3 =	vand.u32 $0x7, v3  }
0x119: {  	v3 =	vor.u32 v3, v4  }
0x11a: {  	v4 =	vperm.xlane v3, v0;
	_ =	sdelay $0x1  }
0x11b: {  	v4 =	vadd.s32 v1, v4;
	_ =	sdelay $0x3  }
0x11c: {  	s18 =	simm.s32 $0xF100;
	v3 =	vperm.xlane v3, v2  }
0x11d: {  	[hbm4b:s4+s2] =	stream.indirect_vreg.scatter [tilespmem:s18], [sflag:$0x2], $0x80, v4, vm0, $0xb8;
	[tilespmem:$0x18100] =	vst v63  }
0x11e: {  	s17 =	simm.s32 $0xF900;
	v3 =	vadd.s32 v1, v3  }
0x11f: {  	[hbm4b:s7+s2] =	stream.indirect_vreg.scatter [tilespmem:s17], [sflag:$0x2], $0x80, v4, vm0, $0xb8;
	[tilespmem:$0x18100] =	vst v63  }
0x120: {  	s18 =	simm.s32 $0x10100  }
0x121: {  	[hbm4b:s8+s2] =	stream.indirect_vreg.scatter [tilespmem:s18], [sflag:$0x2], $0x80, v4, vm0, $0xb8;
	[tilespmem:$0x18100] =	vst v63  }
0x122: {  	s17 =	simm.s32 $0x10900  }
0x123: {  	[hbm4b:s4+s2] =	stream.indirect_vreg.scatter [tilespmem:s17], [sflag:$0x2], $0x80, v3, vm0, $0xb8;
	[tilespmem:$0x18100] =	vst v63  }
0x124: {  	s18 =	simm.s32 $0x11100  }
0x125: {  	[hbm4b:s7+s2] =	stream.indirect_vreg.scatter [tilespmem:s18], [sflag:$0x2], $0x80, v3, vm0, $0xb8;
	[tilespmem:$0x18100] =	vst v63  }
0x126: {  	s17 =	simm.s32 $0x11900  }
0x127: {  	[hbm4b:s8+s2] =	stream.indirect_vreg.scatter [tilespmem:s17], [sflag:$0x2], $0x80, v3, vm0, $0xb8;
	[tilespmem:$0x18100] =	vst v63  }
0x128: {  	v3 =	vld [tilespmem:$0xE0];
	_ =	sdelay $0x4  }
0x129: {  	v62 =	vshrl.u32 v3, $0x3  }
0x12a: {  	v4 =	vmul.u32 $0x30, v62  }
0x12b: {  	v3 =	vand.u32 $0x7, v3  }
0x12c: {  	v3 =	vor.u32 v3, v4  }
0x12d: {  	v4 =	vperm.xlane v3, v0;
	_ =	sdelay $0x1  }
0x12e: {  	v4 =	vadd.s32 v1, v4;
	_ =	sdelay $0x3  }
0x12f: {  	s18 =	simm.s32 $0x12100;
	v3 =	vperm.xlane v3, v2  }
0x130: {  	[hbm4b:s4+s2] =	stream.indirect_vreg.scatter [tilespmem:s18], [sflag:$0x2], $0x80, v4, vm0, $0xb8;
	[tilespmem:$0x18100] =	vst v63  }
0x131: {  	s17 =	simm.s32 $0x12900;
	v3 =	vadd.s32 v1, v3  }
0x132: {  	[hbm4b:s7+s2] =	stream.indirect_vreg.scatter [tilespmem:s17], [sflag:$0x2], $0x80, v4, vm0, $0xb8;
	[tilespmem:$0x18100] =	vst v63  }
0x133: {  	s18 =	simm.s32 $0x13100  }
0x134: {  	[hbm4b:s8+s2] =	stream.indirect_vreg.scatter [tilespmem:s18], [sflag:$0x2], $0x80, v4, vm0, $0xb8;
	[tilespmem:$0x18100] =	vst v63  }
0x135: {  	s17 =	simm.s32 $0x13900  }
0x136: {  	[hbm4b:s4+s2] =	stream.indirect_vreg.scatter [tilespmem:s17], [sflag:$0x2], $0x80, v3, vm0, $0xb8;
	[tilespmem:$0x18100] =	vst v63  }
0x137: {  	s18 =	simm.s32 $0x14100  }
0x138: {  	[hbm4b:s7+s2] =	stream.indirect_vreg.scatter [tilespmem:s18], [sflag:$0x2], $0x80, v3, vm0, $0xb8;
	[tilespmem:$0x18100] =	vst v63  }
0x139: {  	s17 =	simm.s32 $0x14900  }
0x13a: {  	[hbm4b:s8+s2] =	stream.indirect_vreg.scatter [tilespmem:s17], [sflag:$0x2], $0x80, v3, vm0, $0xb8;
	[tilespmem:$0x18100] =	vst v63  }
0x13b: {  	v3 =	vld [tilespmem:$0xF0];
	_ =	sdelay $0x4  }
0x13c: {  	v63 =	vshrl.u32 v3, $0x3  }
0x13d: {  	v4 =	vmul.u32 $0x30, v63  }
0x13e: {  	v3 =	vand.u32 $0x7, v3  }
0x13f: {  	v3 =	vor.u32 v3, v4  }
0x140: {  	v4 =	vperm.xlane v3, v0;
	_ =	sdelay $0x1  }
0x141: {  	v4 =	vadd.s32 v1, v4;
	_ =	sdelay $0x3  }
0x142: {  	s18 =	simm.s32 $0x15100;
	v3 =	vperm.xlane v3, v2  }
0x143: {  	[hbm4b:s4+s2] =	stream.indirect_vreg.scatter [tilespmem:s18], [sflag:$0x2], $0x80, v4, vm0, $0xb8;
	[tilespmem:$0x18100] =	vst v63  }
0x144: {  	s17 =	simm.s32 $0x15900;
	v3 =	vadd.s32 v1, v3  }
0x145: {  	[hbm4b:s7+s2] =	stream.indirect_vreg.scatter [tilespmem:s17], [sflag:$0x2], $0x80, v4, vm0, $0xb8;
	[tilespmem:$0x18100] =	vst v63  }
0x146: {  	s18 =	simm.s32 $0x16100  }
0x147: {  	[hbm4b:s8+s2] =	stream.indirect_vreg.scatter [tilespmem:s18], [sflag:$0x2], $0x80, v4, vm0, $0xb8;
	[tilespmem:$0x18100] =	vst v63  }
0x148: {  	s17 =	simm.s32 $0x16900  }
0x149: {  	[hbm4b:s4+s2] =	stream.indirect_vreg.scatter [tilespmem:s17], [sflag:$0x2], $0x80, v3, vm0, $0xb8;
	[tilespmem:$0x18100] =	vst v63  }
0x14a: {  	p0 =	sne.s32 s9, $0x1;
	s18 =	simm.s32 $0x17100  }
0x14b: {  	[hbm4b:s7+s2] =	stream.indirect_vreg.scatter [tilespmem:s18], [sflag:$0x2], $0x80, v3, vm0, $0xb8;
	[tilespmem:$0x18100] =	vst v63  }
.Ltmp0:
0x14c: {  	s17 =	simm.s32 $0x17900;
	s18 =	simm.s32 $0x2;
	(pc) =	sbr.rel @p0 .LBB2_1-.Ltmp0, $4  }
0x14d: {  	[hbm4b:s8+s2] =	stream.indirect_vreg.scatter [tilespmem:s17], [sflag:$0x2], $0x80, v3, vm0, $0xb8;
	[tilespmem:$0x18100] =	vst v63  }
0x14e: {  	_ =	swait.ge [sflag:s18], $0x18000  }
0x14f: {  	[sflag:s18] =	ssyncset.done $0x0  }
0x150: {  	s9 =	sadd.s32 $0xFFFFFFFF, s9;
	[sflag:s18] =	ssyncadd.s32 $0xFFFE8000  }
0x151: {  	_ =	sfence.sel $0x180000  }
0x152: {  	[bflag:$0x0] =	sbarrier.arrive $0xFFFF  }
0x153: {  	_ =	strace $0x90000047  }
0x154: {  	s0 =	stileid.u32;
	[bflag:$0x2] =	sbarrier.arrive $0xFFFF  }
0x155: {  	p0 =	sne.s32 s0, $0x0;
	s0 =	rddreg [dreg:$0x1]  }
0x156: {  	s0 =	sadd.s32 @!p0 $0x100000, s0  }
0x157: {  	[sflag:s0] =	ssyncadd.tile.s32 @!p0 $0x1;
	_ =	shalt  }
.Lfunc_end2:
_tile_overlayer_lowered:
.L_overlay_start_2:
0x158: {  	(tag) =	ssettag $0x2  }
0x159: {  	s0 =	rddreg [dreg:$0x0];
	s2 =	stileid.u32  }
0x15a: {  	s1 =	rddreg [dreg:$0x1];
	p0 =	sne.s32 s2, $0x0  }
0x15b: {  	s3 =	rddreg [dreg:$0x2];
	[bflag:$0x3] =	sbarrier.arrive $0xFFFF;
	s2 =	simm.s32 @!p0 $0x1C03  }
0x15c: {  	[timem:s3], [sflag:s2] =	dma.local @!p0 [hbm:s0], s1  }
0x15d: {  	s0 =	simm.s32 @!p0 $0x3  }
0x15e: {  	_ =	swait.ge @!p0 [sflag:s0], s1  }
0x15f: {  	s1 =	ssub.s32 @!p0 $0x0, s1;
	[sflag:s0] =	ssyncset.done @!p0 $0x0  }
0x160: {  	[sflag:s0] =	ssyncadd.s32 @!p0 s1  }
0x161: {  	[bflag:$0x3] =	sbarrier.arrive $0xFFFF  }
0x162: {  	_ =	shalt  }

</sc_bundles>
